<compile_context>
chip_gen: v7x
topology: tpu7x:2x2x1
jax: 0.10.2.dev20260603
libtpu: 0.0.44.dev20260713+nightly
codegen_flags: <defaults>
</compile_context>

<pallas_src>
import functools

import jax
import jax.numpy as jnp
from jax import lax
from jax.experimental import pallas as pl
from jax.experimental.pallas import tpu as pltpu
from jax.experimental.pallas import tpu_sc as plsc

N = 625
NC = 640
NR = 626
FLAT = NR * NC
E = 20000
EP = 20480
NCORES = 1
NTILES = 16
EPT = EP // NTILES
TAIL = E - (NTILES - 1) * EPT
IDX_ROWS = EPT // 128
CHUNK = FLAT // NTILES
ZB = 3200
D_EMB = 64
EPS = 1e-5



def _sc_body(edge_hbm, out_hbm, ev_v, idx_v, one_v, stage_v, zb_v, sem, acc):
    tid = lax.axis_index("s")
    ebase = pl.multiple_of(tid * EPT, 128)
    cbase = pl.multiple_of(tid * CHUNK, 8)

    def _zb(m, _):
        zb_v[pl.ds(m * 16, 16)] = jnp.zeros((16,), jnp.float32)
        return 0
    lax.fori_loop(0, ZB // 16, _zb, 0)
    cps = []
    off = 0
    while off < CHUNK:
        sz = min(ZB, CHUNK - off)
        cps.append(pltpu.async_copy(zb_v.at[pl.ds(0, sz)],
                                    acc.at[pl.ds(cbase + off, sz)], sem))
        off += sz

    pltpu.sync_copy(edge_hbm.at[:, pl.ds(ebase, EPT)], ev_v)

    @pl.when(tid == NTILES - 1)
    def _fix_tail():
        def _pad(m, _):
            ev_v[1, pl.ds(TAIL + m * 16, 16)] = jnp.full((16,), N, jnp.int32)
            return 0
        lax.fori_loop(0, (EPT - TAIL) // 16, _pad, 0)

    def _ones(j, _):
        one_v[0, pl.ds(j * 16, 16)] = jnp.full((16,), 1.0, jnp.float32)
        return 0
    lax.fori_loop(0, 8, _ones, 0)
    for r in range(IDX_ROWS):
        def _ix(j, _, r=r):
            eoff = r * 128 + j * 16
            d16 = ev_v[1, pl.ds(eoff, 16)]
            s16 = ev_v[0, pl.ds(eoff, 16)]
            idx_v[r, pl.ds(j * 16, 16)] = d16 * NC + s16
            return 0
        lax.fori_loop(0, 8, _ix, 0)

    for cp in cps:
        cp.wait()
    plsc.subcore_barrier()

    cps = [pltpu.async_copy(one_v.at[0], acc.at[idx_v.at[j]], sem, add=True)
           for j in range(IDX_ROWS)]
    for cp in cps:
        cp.wait()

    plsc.subcore_barrier()

    h1 = 12528
    h2 = CHUNK - h1
    pltpu.sync_copy(acc.at[pl.ds(cbase, h1)], stage_v.at[pl.ds(0, h1)])
    cp1 = pltpu.async_copy(stage_v.at[pl.ds(0, h1)],
                           out_hbm.at[pl.ds(cbase, h1)], sem)
    pltpu.sync_copy(acc.at[pl.ds(cbase + h1, h2)], stage_v.at[pl.ds(h1, h2)])
    cp1.wait()
    pltpu.sync_copy(stage_v.at[pl.ds(h1, h2)], out_hbm.at[pl.ds(cbase + h1, h2)])


def _sc_build_adj(edge_p):
    mesh = plsc.VectorSubcoreMesh(core_axis_name="c", subcore_axis_name="s",
                                  num_cores=NCORES)
    f = functools.partial(
        pl.kernel,
        mesh=mesh,
        out_type=jax.ShapeDtypeStruct((FLAT,), jnp.float32),
        scratch_types=[
            pltpu.VMEM((2, EPT), jnp.int32),
            pltpu.VMEM((IDX_ROWS, 128), jnp.int32),
            pltpu.VMEM((1, 128), jnp.float32),
            pltpu.VMEM((CHUNK,), jnp.float32),
            pltpu.VMEM((ZB,), jnp.float32),
            pltpu.SemaphoreType.DMA,
            pltpu.VMEM_SHARED((FLAT,), jnp.float32),
        ],
    )(_sc_body)
    return f(edge_p)



def _dot(a, b):
    return lax.dot_general(a, b, (((1,), (0,)), ((), ())),
                           preferred_element_type=jnp.float32)


def _agg(A, y, dinv):
    ys = y * dinv
    m = lax.dot_general(A.astype(jnp.bfloat16), ys.astype(jnp.bfloat16),
                        (((1,), (0,)), ((), ())),
                        preferred_element_type=jnp.float32)
    return (m + ys) * dinv


def _tile(v, bsz):
    return jnp.concatenate([v] * bsz, axis=1)


def _fold(s, bsz):
    acc = lax.slice(s, (0, 0), (1, D_EMB))
    for g in range(1, bsz):
        acc = acc + lax.slice(s, (0, g * D_EMB), (1, (g + 1) * D_EMB))
    return acc


def _bn_nm(h, w, b, bsz):
    cnt = float(bsz * N)
    s = jnp.sum(h, axis=0, keepdims=True)
    s2 = jnp.sum(h * h, axis=0, keepdims=True)
    mu = _fold(s, bsz) / cnt
    m2 = _fold(s2, bsz) / cnt
    var = m2 - mu * mu
    scale = lax.rsqrt(var + EPS) * w[None, :]
    shift = b[None, :] - mu * scale
    return h * _tile(scale, bsz) + _tile(shift, bsz)


def _tc_body(bsz, a_ref, x_ref, tb_ref, w1_ref, b1_ref, w2_ref, b2_ref,
             w3_ref, b3_ref, g1_ref, be1_ref, g2_ref, be2_ref, o_ref):
    a = a_ref[:N, :]
    deg = jnp.sum(a, axis=1, keepdims=True) + 1.0
    dinv = lax.rsqrt(deg)
    A = a[:, :N]

    w1 = w1_ref[...]
    y = jnp.concatenate([_dot(x_ref[g], w1) for g in range(bsz)], axis=1)
    h = _agg(A, y, dinv) + _tile(b1_ref[...][None, :], bsz)
    h = jnp.maximum(h, 0.0)
    h = _bn_nm(h, g1_ref[...], be1_ref[...], bsz)

    w2 = w2_ref[...]
    y = jnp.concatenate(
        [_dot(h[:, g * D_EMB:(g + 1) * D_EMB], w2) for g in range(bsz)], axis=1)
    h = _agg(A, y, dinv) + _tile(b2_ref[...][None, :], bsz)
    h = jnp.maximum(h, 0.0)
    h = _bn_nm(h, g2_ref[...], be2_ref[...], bsz)

    w3 = w3_ref[...]
    y = jnp.concatenate(
        [_dot(h[:, g * D_EMB:(g + 1) * D_EMB], w3) for g in range(bsz)], axis=1)
    h = _agg(A, y, dinv) + _tile(b3_ref[...][None, :], bsz)
    h = jnp.maximum(h, 0.0)
    o_ref[...] = h + (tb_ref[0, 0] - bsz).astype(jnp.float32)


def _tc_forward(a_mat, x3, tb, W1, b1, W2, b2, W3, b3, bn1_w, bn1_b, bn2_w,
                bn2_b, bsz):
    return pl.pallas_call(
        functools.partial(_tc_body, bsz),
        out_shape=jax.ShapeDtypeStruct((N, bsz * D_EMB), jnp.float32),
    )(a_mat, x3, tb, W1, b1, W2, b2, W3, b3, bn1_w, bn1_b, bn2_w, bn2_b)


def kernel(node_list, edge_index, true_batch_size, W1, b1, W2, b2, W3, b3,
           bn1_w, bn1_b, bn2_w, bn2_b):
    bsz, n_per_graph, feat = node_list.shape
    ei_p = jnp.pad(edge_index, ((0, 0), (0, EP - E)))
    a_mat = _sc_build_adj(ei_p).reshape(NR, NC)

    tb = jnp.asarray(true_batch_size, jnp.int32).reshape(1, 1)
    h = _tc_forward(a_mat, node_list, tb, W1, b1, W2, b2, W3, b3,
                    bn1_w, bn1_b, bn2_w, bn2_b, bsz)
    return h.reshape(n_per_graph, bsz, D_EMB).transpose(1, 0, 2)

# --- scband reference (transcript-rebuilt; emitter-appended) ---
"""Pipeline reference for scband-sim-gcn-66632122630369 (READ-ONLY COPY).

The authoritative reference and input builder live on the scoring server;
editing this copy changes nothing except your own understanding.
"""

import jax, jax.numpy as jnp
import numpy as np

B = 16
N = 625
E = 20000
D_FEAT = 128
D_EMB = 64
EPS = 1e-5


def setup_inputs(seed: int = 0) -> dict:
    key = jax.random.key(seed)
    ks = jax.random.split(key, 8)
    inp = {
        "node_list": jax.random.normal(ks[0], (B, N, D_FEAT), dtype=jnp.float32),
        "edge_index": jax.random.randint(ks[1], (2, E), 0, N, dtype=jnp.int32),
        "true_batch_size": B,
        "W1": jax.random.normal(ks[2], (D_FEAT, D_EMB), dtype=jnp.float32) * (1.0 / np.sqrt(D_FEAT)),
        "b1": jnp.zeros((D_EMB,), dtype=jnp.float32),
        "W2": jax.random.normal(ks[3], (D_EMB, D_EMB), dtype=jnp.float32) * (1.0 / np.sqrt(D_EMB)),
        "b2": jnp.zeros((D_EMB,), dtype=jnp.float32),
        "W3": jax.random.normal(ks[4], (D_EMB, D_EMB), dtype=jnp.float32) * (1.0 / np.sqrt(D_EMB)),
        "b3": jnp.zeros((D_EMB,), dtype=jnp.float32),
        "bn1_w": jnp.ones((D_EMB,), dtype=jnp.float32),
        "bn1_b": jnp.zeros((D_EMB,), dtype=jnp.float32),
        "bn2_w": jnp.ones((D_EMB,), dtype=jnp.float32),
        "bn2_b": jnp.zeros((D_EMB,), dtype=jnp.float32),
    }
    return inp


def _gcn_conv(x, src, dst, W, b, n_nodes):
    # PyG GCNConv: x' = D^{-1/2} (A + I) D^{-1/2} (X W) + b
    xw = x @ W
    loop = jnp.arange(n_nodes, dtype=src.dtype)
    src_a = jnp.concatenate([src, loop])
    dst_a = jnp.concatenate([dst, loop])
    deg = jnp.zeros((n_nodes,), dtype=xw.dtype).at[dst_a].add(1.0)
    dinv = jnp.where(deg > 0, deg ** -0.5, 0.0)
    norm = dinv[src_a] * dinv[dst_a]
    msgs = xw[src_a] * norm[:, None]
    out = jax.ops.segment_sum(msgs, dst_a, num_segments=n_nodes)
    return out + b


def _batch_norm(x, w, b):
    mu = jnp.mean(x, axis=0)
    var = jnp.var(x, axis=0)
    return (x - mu) / jnp.sqrt(var + EPS) * w + b


def reference(node_list, edge_index, true_batch_size, W1, b1, W2, b2, W3, b3, bn1_w, bn1_b, bn2_w, bn2_b):
    bsz, n_per_graph, feat = node_list.shape
    n_total = bsz * n_per_graph
    # Batch.from_data_list: block-diagonal batching, same edge_index per graph with node offsets
    offsets = (jnp.arange(bsz, dtype=edge_index.dtype) * n_per_graph)
    src = (edge_index[0][None, :] + offsets[:, None]).reshape(-1)
    dst = (edge_index[1][None, :] + offsets[:, None]).reshape(-1)
    x = node_list.reshape(n_total, feat)
    # layer 0
    h = _gcn_conv(x, src, dst, W1, b1, n_total)
    h = jax.nn.relu(h)
    h = _batch_norm(h, bn1_w, bn1_b)
    # layer 1
    h = _gcn_conv(h, src, dst, W2, b2, n_total)
    h = jax.nn.relu(h)
    h = _batch_norm(h, bn2_w, bn2_b)
    # layer 2
    h = _gcn_conv(h, src, dst, W3, b3, n_total)
    h = jax.nn.relu(h)
    zero_residual = (jnp.asarray(true_batch_size) - bsz).astype(h.dtype)
    return h.reshape(bsz, -1, D_EMB) + zero_residual

if __name__ == "__main__":
    import jax
    _d = setup_inputs()
    print(jax.jit(kernel)(*tuple(_d.values())))

</pallas_src>

<mosaic_0001>
#map = affine_map<(d0, d1) -> (0, 0)>
#map1 = affine_map<(d0, d1) -> (0)>
module attributes {stable_mosaic.version = 14 : i64} {
  func.func @_sc_body(%arg0: i32, %arg1: i32, %arg2: memref<2x20480xi32, #tpu.memory_space<hbm>>, %arg3: memref<400640xf32, #tpu.memory_space<hbm>>, %arg4: memref<2x1280xi32, #tpu.memory_space<vmem>>, %arg5: memref<10x128xi32, #tpu.memory_space<vmem>>, %arg6: memref<1x128xf32, #tpu.memory_space<vmem>>, %arg7: memref<25040xf32, #tpu.memory_space<vmem>>, %arg8: memref<3200xf32, #tpu.memory_space<vmem>>, %arg9: memref<!tpu.dma_semaphore, #tpu.memory_space<semaphore_mem>>, %arg10: memref<400640xf32, #tpu.memory_space<vmem_shared>>) attributes {dimension_semantics = [#tpu.dimension_semantics<core_parallel>, #tpu.dimension_semantics<subcore_parallel>], iteration_bounds = array<i64: 1, 16>, scalar_prefetch = 0 : i64, scratch_operands = 7 : i64, tpu.core_type = #tpu.core_type<sc_vector_subcore>, window_params = [{transform_indices = #map}, {transform_indices = #map1}]} {
    %mul3A = arith.constant 1280 : i32
    %mul3A_0 = arith.muli %arg1, %mul3A : i32
    %multiple_of3A = tpu.assume_multiple %mul3A_0, 128 : i32
    %mul3A_1 = arith.constant 25040 : i32
    %mul3A_2 = arith.muli %arg1, %mul3A_1 : i32
    %multiple_of3A_3 = tpu.assume_multiple %mul3A_2, 8 : i32
    %scan3A = arith.constant 0 : i32
    %scan3A_4 = arith.constant 0 : i32
    %scan3A_5 = arith.constant 200 : i32
    %scan3A_6 = arith.addi %scan3A_4, %scan3A_5 : i32
    %scan3A_7 = arith.constant 1 : i32
    %scan3A_8 = scf.for %scan3A_415 = %scan3A_4 to %scan3A_6 step %scan3A_7 iter_args(%scan3A_416 = %scan3A) -> (i32)  : i32 {
      %broadcast_in_dim3A = arith.constant 0.000000e+00 : f32
      %broadcast_in_dim3A_417 = vector.broadcast %broadcast_in_dim3A : f32 to vector<16xf32>
      %mul3A_418 = arith.constant 16 : i32
      %mul3A_419 = arith.muli %scan3A_415, %mul3A_418 : i32
      %swap3A = arith.index_cast %mul3A_419 : i32 to index
      %swap3A_420 = tpu.vector_load %arg8[%swap3A] {strides = array<i32>} : memref<3200xf32, #tpu.memory_space<vmem>>, vector<16xf32>,
      %swap3A_421 = vector.shape_cast %swap3A_420 : vector<16xf32> to vector<16xf32>
      %swap3A_422 = vector.shape_cast %broadcast_in_dim3A_417 : vector<16xf32> to vector<16xf32>
      tpu.vector_store %arg8[%swap3A], %swap3A_422 {strides = array<i32>} : memref<3200xf32, #tpu.memory_space<vmem>>, vector<16xf32>,
      %scan3A_423 = arith.constant 0 : i32
      scf.yield %scan3A_423 : i32
    }
    %scan3A_9 = arith.constant 200 : i32
    %add3A = arith.constant 0 : i32
    %add3A_10 = arith.addi %multiple_of3A_3, %add3A : i32
    %dma_start3A = arith.constant 0 : i32
    %dma_start3A_11 = tpu.memref_slice %arg8[%dma_start3A] : memref<3200xf32, #tpu.memory_space<vmem>> -> memref<3200xf32, #tpu.memory_space<vmem>>
    %dma_start3A_12 = tpu.memref_slice %arg10[%add3A_10] : memref<400640xf32, #tpu.memory_space<vmem_shared>> -> memref<3200xf32, #tpu.memory_space<vmem_shared>>
    %dma_start3A_13 = tpu.memref_slice %arg10[%add3A_10] : memref<400640xf32, #tpu.memory_space<vmem_shared>> -> memref<3200xf32, #tpu.memory_space<vmem_shared>>
    %dma_start3A_14 = arith.constant 0 : i32
    %dma_start3A_15 = tpu.memref_slice %arg8[%dma_start3A_14] : memref<3200xf32, #tpu.memory_space<vmem>> -> memref<3200xf32, #tpu.memory_space<vmem>>
    tpu.enqueue_dma source(%dma_start3A_15 : memref<3200xf32, #tpu.memory_space<vmem>>) target(%dma_start3A_13 : memref<3200xf32, #tpu.memory_space<vmem_shared>>) target_semaphore(%arg9 : memref<!tpu.dma_semaphore, #tpu.memory_space<semaphore_mem>>)
    %add3A_16 = arith.constant 3200 : i32
    %add3A_17 = arith.addi %multiple_of3A_3, %add3A_16 : i32
    %dma_start3A_18 = arith.constant 0 : i32
    %dma_start3A_19 = tpu.memref_slice %arg8[%dma_start3A_18] : memref<3200xf32, #tpu.memory_space<vmem>> -> memref<3200xf32, #tpu.memory_space<vmem>>
    %dma_start3A_20 = tpu.memref_slice %arg10[%add3A_17] : memref<400640xf32, #tpu.memory_space<vmem_shared>> -> memref<3200xf32, #tpu.memory_space<vmem_shared>>
    %dma_start3A_21 = tpu.memref_slice %arg10[%add3A_17] : memref<400640xf32, #tpu.memory_space<vmem_shared>> -> memref<3200xf32, #tpu.memory_space<vmem_shared>>
    %dma_start3A_22 = arith.constant 0 : i32
    %dma_start3A_23 = tpu.memref_slice %arg8[%dma_start3A_22] : memref<3200xf32, #tpu.memory_space<vmem>> -> memref<3200xf32, #tpu.memory_space<vmem>>
    tpu.enqueue_dma source(%dma_start3A_23 : memref<3200xf32, #tpu.memory_space<vmem>>) target(%dma_start3A_21 : memref<3200xf32, #tpu.memory_space<vmem_shared>>) target_semaphore(%arg9 : memref<!tpu.dma_semaphore, #tpu.memory_space<semaphore_mem>>)
    %add3A_24 = arith.constant 6400 : i32
    %add3A_25 = arith.addi %multiple_of3A_3, %add3A_24 : i32
    %dma_start3A_26 = arith.constant 0 : i32
    %dma_start3A_27 = tpu.memref_slice %arg8[%dma_start3A_26] : memref<3200xf32, #tpu.memory_space<vmem>> -> memref<3200xf32, #tpu.memory_space<vmem>>
    %dma_start3A_28 = tpu.memref_slice %arg10[%add3A_25] : memref<400640xf32, #tpu.memory_space<vmem_shared>> -> memref<3200xf32, #tpu.memory_space<vmem_shared>>
    %dma_start3A_29 = tpu.memref_slice %arg10[%add3A_25] : memref<400640xf32, #tpu.memory_space<vmem_shared>> -> memref<3200xf32, #tpu.memory_space<vmem_shared>>
    %dma_start3A_30 = arith.constant 0 : i32
    %dma_start3A_31 = tpu.memref_slice %arg8[%dma_start3A_30] : memref<3200xf32, #tpu.memory_space<vmem>> -> memref<3200xf32, #tpu.memory_space<vmem>>
    tpu.enqueue_dma source(%dma_start3A_31 : memref<3200xf32, #tpu.memory_space<vmem>>) target(%dma_start3A_29 : memref<3200xf32, #tpu.memory_space<vmem_shared>>) target_semaphore(%arg9 : memref<!tpu.dma_semaphore, #tpu.memory_space<semaphore_mem>>)
    %add3A_32 = arith.constant 9600 : i32
    %add3A_33 = arith.addi %multiple_of3A_3, %add3A_32 : i32
    %dma_start3A_34 = arith.constant 0 : i32
    %dma_start3A_35 = tpu.memref_slice %arg8[%dma_start3A_34] : memref<3200xf32, #tpu.memory_space<vmem>> -> memref<3200xf32, #tpu.memory_space<vmem>>
    %dma_start3A_36 = tpu.memref_slice %arg10[%add3A_33] : memref<400640xf32, #tpu.memory_space<vmem_shared>> -> memref<3200xf32, #tpu.memory_space<vmem_shared>>
    %dma_start3A_37 = tpu.memref_slice %arg10[%add3A_33] : memref<400640xf32, #tpu.memory_space<vmem_shared>> -> memref<3200xf32, #tpu.memory_space<vmem_shared>>
    %dma_start3A_38 = arith.constant 0 : i32
    %dma_start3A_39 = tpu.memref_slice %arg8[%dma_start3A_38] : memref<3200xf32, #tpu.memory_space<vmem>> -> memref<3200xf32, #tpu.memory_space<vmem>>
    tpu.enqueue_dma source(%dma_start3A_39 : memref<3200xf32, #tpu.memory_space<vmem>>) target(%dma_start3A_37 : memref<3200xf32, #tpu.memory_space<vmem_shared>>) target_semaphore(%arg9 : memref<!tpu.dma_semaphore, #tpu.memory_space<semaphore_mem>>)
    %add3A_40 = arith.constant 12800 : i32
    %add3A_41 = arith.addi %multiple_of3A_3, %add3A_40 : i32
    %dma_start3A_42 = arith.constant 0 : i32
    %dma_start3A_43 = tpu.memref_slice %arg8[%dma_start3A_42] : memref<3200xf32, #tpu.memory_space<vmem>> -> memref<3200xf32, #tpu.memory_space<vmem>>
    %dma_start3A_44 = tpu.memref_slice %arg10[%add3A_41] : memref<400640xf32, #tpu.memory_space<vmem_shared>> -> memref<3200xf32, #tpu.memory_space<vmem_shared>>
    %dma_start3A_45 = tpu.memref_slice %arg10[%add3A_41] : memref<400640xf32, #tpu.memory_space<vmem_shared>> -> memref<3200xf32, #tpu.memory_space<vmem_shared>>
    %dma_start3A_46 = arith.constant 0 : i32
    %dma_start3A_47 = tpu.memref_slice %arg8[%dma_start3A_46] : memref<3200xf32, #tpu.memory_space<vmem>> -> memref<3200xf32, #tpu.memory_space<vmem>>
    tpu.enqueue_dma source(%dma_start3A_47 : memref<3200xf32, #tpu.memory_space<vmem>>) target(%dma_start3A_45 : memref<3200xf32, #tpu.memory_space<vmem_shared>>) target_semaphore(%arg9 : memref<!tpu.dma_semaphore, #tpu.memory_space<semaphore_mem>>)
    %add3A_48 = arith.constant 16000 : i32
    %add3A_49 = arith.addi %multiple_of3A_3, %add3A_48 : i32
    %dma_start3A_50 = arith.constant 0 : i32
    %dma_start3A_51 = tpu.memref_slice %arg8[%dma_start3A_50] : memref<3200xf32, #tpu.memory_space<vmem>> -> memref<3200xf32, #tpu.memory_space<vmem>>
    %dma_start3A_52 = tpu.memref_slice %arg10[%add3A_49] : memref<400640xf32, #tpu.memory_space<vmem_shared>> -> memref<3200xf32, #tpu.memory_space<vmem_shared>>
    %dma_start3A_53 = tpu.memref_slice %arg10[%add3A_49] : memref<400640xf32, #tpu.memory_space<vmem_shared>> -> memref<3200xf32, #tpu.memory_space<vmem_shared>>
    %dma_start3A_54 = arith.constant 0 : i32
    %dma_start3A_55 = tpu.memref_slice %arg8[%dma_start3A_54] : memref<3200xf32, #tpu.memory_space<vmem>> -> memref<3200xf32, #tpu.memory_space<vmem>>
    tpu.enqueue_dma source(%dma_start3A_55 : memref<3200xf32, #tpu.memory_space<vmem>>) target(%dma_start3A_53 : memref<3200xf32, #tpu.memory_space<vmem_shared>>) target_semaphore(%arg9 : memref<!tpu.dma_semaphore, #tpu.memory_space<semaphore_mem>>)
    %add3A_56 = arith.constant 19200 : i32
    %add3A_57 = arith.addi %multiple_of3A_3, %add3A_56 : i32
    %dma_start3A_58 = arith.constant 0 : i32
    %dma_start3A_59 = tpu.memref_slice %arg8[%dma_start3A_58] : memref<3200xf32, #tpu.memory_space<vmem>> -> memref<3200xf32, #tpu.memory_space<vmem>>
    %dma_start3A_60 = tpu.memref_slice %arg10[%add3A_57] : memref<400640xf32, #tpu.memory_space<vmem_shared>> -> memref<3200xf32, #tpu.memory_space<vmem_shared>>
    %dma_start3A_61 = tpu.memref_slice %arg10[%add3A_57] : memref<400640xf32, #tpu.memory_space<vmem_shared>> -> memref<3200xf32, #tpu.memory_space<vmem_shared>>
    %dma_start3A_62 = arith.constant 0 : i32
    %dma_start3A_63 = tpu.memref_slice %arg8[%dma_start3A_62] : memref<3200xf32, #tpu.memory_space<vmem>> -> memref<3200xf32, #tpu.memory_space<vmem>>
    tpu.enqueue_dma source(%dma_start3A_63 : memref<3200xf32, #tpu.memory_space<vmem>>) target(%dma_start3A_61 : memref<3200xf32, #tpu.memory_space<vmem_shared>>) target_semaphore(%arg9 : memref<!tpu.dma_semaphore, #tpu.memory_space<semaphore_mem>>)
    %add3A_64 = arith.constant 22400 : i32
    %add3A_65 = arith.addi %multiple_of3A_3, %add3A_64 : i32
    %dma_start3A_66 = arith.constant 0 : i32
    %dma_start3A_67 = tpu.memref_slice %arg8[%dma_start3A_66] : memref<3200xf32, #tpu.memory_space<vmem>> -> memref<2640xf32, #tpu.memory_space<vmem>>
    %dma_start3A_68 = tpu.memref_slice %arg10[%add3A_65] : memref<400640xf32, #tpu.memory_space<vmem_shared>> -> memref<2640xf32, #tpu.memory_space<vmem_shared>>
    %dma_start3A_69 = tpu.memref_slice %arg10[%add3A_65] : memref<400640xf32, #tpu.memory_space<vmem_shared>> -> memref<2640xf32, #tpu.memory_space<vmem_shared>>
    %dma_start3A_70 = arith.constant 0 : i32
    %dma_start3A_71 = tpu.memref_slice %arg8[%dma_start3A_70] : memref<3200xf32, #tpu.memory_space<vmem>> -> memref<2640xf32, #tpu.memory_space<vmem>>
    tpu.enqueue_dma source(%dma_start3A_71 : memref<2640xf32, #tpu.memory_space<vmem>>) target(%dma_start3A_69 : memref<2640xf32, #tpu.memory_space<vmem_shared>>) target_semaphore(%arg9 : memref<!tpu.dma_semaphore, #tpu.memory_space<semaphore_mem>>)
    "tpu.region"() ({
      %run_scoped3A = tpu.sem_alloc : memref<!tpu.dma_semaphore, #tpu.memory_space<semaphore_mem>>
      %dma_start3A_415 = arith.constant 0 : i32
      %dma_start3A_416 = tpu.memref_slice %arg2[%dma_start3A_415, %multiple_of3A] : memref<2x20480xi32, #tpu.memory_space<hbm>> -> memref<2x1280xi32, #tpu.memory_space<hbm>>
      %dma_start3A_417 = arith.constant 0 : i32
      %dma_start3A_418 = tpu.memref_slice %arg2[%dma_start3A_417, %multiple_of3A] : memref<2x20480xi32, #tpu.memory_space<hbm>> -> memref<2x1280xi32, #tpu.memory_space<hbm>>
      tpu.enqueue_dma source(%dma_start3A_418 : memref<2x1280xi32, #tpu.memory_space<hbm>>) target(%arg4 : memref<2x1280xi32, #tpu.memory_space<vmem>>) target_semaphore(%run_scoped3A : memref<!tpu.dma_semaphore, #tpu.memory_space<semaphore_mem>>)
      %dma_wait3A_419 = arith.constant 0 : i32
      %dma_wait3A_420 = tpu.memref_slice %arg2[%dma_wait3A_419, %multiple_of3A] : memref<2x20480xi32, #tpu.memory_space<hbm>> -> memref<2x1280xi32, #tpu.memory_space<hbm>>
      %dma_wait3A_421 = arith.constant 0 : i32
      %dma_wait3A_422 = tpu.memref_slice %arg2[%dma_wait3A_421, %multiple_of3A] : memref<2x20480xi32, #tpu.memory_space<hbm>> -> memref<2x1280xi32, #tpu.memory_space<hbm>>
      tpu.wait_dma2 semaphore(%run_scoped3A : memref<!tpu.dma_semaphore, #tpu.memory_space<semaphore_mem>>) src(%dma_wait3A_422 : memref<2x1280xi32, #tpu.memory_space<hbm>>) dst(%arg4 : memref<2x1280xi32, #tpu.memory_space<vmem>>)
      tpu.yield
    }) : () -> ()
    %eq3A = arith.constant 15 : i32
    %eq3A_72 = arith.cmpi eq, %arg1, %eq3A : i32
    %convert_element_type3A = arith.extui %eq3A_72 : i1 to i32
    %cond3A = arith.constant 0 : i32
    %cond3A_73 = arith.cmpi ne, %convert_element_type3A, %cond3A : i32
    scf.if %cond3A_73 {
      %scan3A_415 = arith.constant 0 : i32
      %scan3A_416 = arith.constant 0 : i32
      %scan3A_417 = arith.constant 30 : i32
      %scan3A_418 = arith.addi %scan3A_416, %scan3A_417 : i32
      %scan3A_419 = arith.constant 1 : i32
      %scan3A_420 = scf.for %scan3A_422 = %scan3A_416 to %scan3A_418 step %scan3A_419 iter_args(%scan3A_423 = %scan3A_415) -> (i32)  : i32 {
        %broadcast_in_dim3A = arith.constant 625 : i32
        %broadcast_in_dim3A_424 = vector.broadcast %broadcast_in_dim3A : i32 to vector<16xi32>
        %mul3A_425 = arith.constant 16 : i32
        %mul3A_426 = arith.muli %scan3A_422, %mul3A_425 : i32
        %add3A_427 = arith.constant 800 : i32
        %add3A_428 = arith.addi %add3A_427, %mul3A_426 : i32
        %swap3A = arith.constant 1 : i32
        %swap3A_429 = arith.index_cast %swap3A : i32 to index
        %swap3A_430 = arith.index_cast %add3A_428 : i32 to index
        %swap3A_431 = tpu.vector_load %arg4[%swap3A_429, %swap3A_430] {strides = array<i32>} : memref<2x1280xi32, #tpu.memory_space<vmem>>, vector<1x16xi32>,
        %swap3A_432 = vector.shape_cast %swap3A_431 : vector<1x16xi32> to vector<16xi32>
        %swap3A_433 = vector.shape_cast %broadcast_in_dim3A_424 : vector<16xi32> to vector<1x16xi32>
        tpu.vector_store %arg4[%swap3A_429, %swap3A_430], %swap3A_433 {strides = array<i32>} : memref<2x1280xi32, #tpu.memory_space<vmem>>, vector<1x16xi32>,
        %scan3A_434 = arith.constant 0 : i32
        scf.yield %scan3A_434 : i32
      }
      %scan3A_421 = arith.constant 30 : i32
    } else {
    }
    %scan3A_74 = arith.constant 0 : i32
    %scan3A_75 = arith.constant 0 : i32
    %scan3A_76 = arith.constant 8 : i32
    %scan3A_77 = arith.addi %scan3A_75, %scan3A_76 : i32
    %scan3A_78 = arith.constant 1 : i32
    %scan3A_79 = scf.for %scan3A_415 = %scan3A_75 to %scan3A_77 step %scan3A_78 iter_args(%scan3A_416 = %scan3A_74) -> (i32)  : i32 {
      %broadcast_in_dim3A = arith.constant 1.000000e+00 : f32
      %broadcast_in_dim3A_417 = vector.broadcast %broadcast_in_dim3A : f32 to vector<16xf32>
      %mul3A_418 = arith.constant 16 : i32
      %mul3A_419 = arith.muli %scan3A_415, %mul3A_418 : i32
      %swap3A = arith.constant 0 : i32
      %swap3A_420 = arith.index_cast %swap3A : i32 to index
      %swap3A_421 = arith.index_cast %mul3A_419 : i32 to index
      %swap3A_422 = tpu.vector_load %arg6[%swap3A_420, %swap3A_421] {strides = array<i32>} : memref<1x128xf32, #tpu.memory_space<vmem>>, vector<1x16xf32>,
      %swap3A_423 = vector.shape_cast %swap3A_422 : vector<1x16xf32> to vector<16xf32>
      %swap3A_424 = vector.shape_cast %broadcast_in_dim3A_417 : vector<16xf32> to vector<1x16xf32>
      tpu.vector_store %arg6[%swap3A_420, %swap3A_421], %swap3A_424 {strides = array<i32>} : memref<1x128xf32, #tpu.memory_space<vmem>>, vector<1x16xf32>,
      %scan3A_425 = arith.constant 0 : i32
      scf.yield %scan3A_425 : i32
    }
    %scan3A_80 = arith.constant 8 : i32
    %scan3A_81 = arith.constant 0 : i32
    %scan3A_82 = arith.constant 0 : i32
    %scan3A_83 = arith.constant 8 : i32
    %scan3A_84 = arith.addi %scan3A_82, %scan3A_83 : i32
    %scan3A_85 = arith.constant 1 : i32
    %scan3A_86 = scf.for %scan3A_415 = %scan3A_82 to %scan3A_84 step %scan3A_85 iter_args(%scan3A_416 = %scan3A_81) -> (i32)  : i32 {
      %mul3A_417 = arith.constant 16 : i32
      %mul3A_418 = arith.muli %scan3A_415, %mul3A_417 : i32
      %add3A_419 = arith.constant 0 : i32
      %add3A_420 = arith.addi %add3A_419, %mul3A_418 : i32
      %get3A = arith.constant 1 : i32
      %get3A_421 = arith.index_cast %get3A : i32 to index
      %get3A_422 = arith.index_cast %add3A_420 : i32 to index
      %get3A_423 = tpu.vector_load %arg4[%get3A_421, %get3A_422] {strides = array<i32>} : memref<2x1280xi32, #tpu.memory_space<vmem>>, vector<1x16xi32>,
      %get3A_424 = vector.shape_cast %get3A_423 : vector<1x16xi32> to vector<16xi32>
      %get3A_425 = arith.constant 0 : i32
      %get3A_426 = arith.index_cast %get3A_425 : i32 to index
      %get3A_427 = arith.index_cast %add3A_420 : i32 to index
      %get3A_428 = tpu.vector_load %arg4[%get3A_426, %get3A_427] {strides = array<i32>} : memref<2x1280xi32, #tpu.memory_space<vmem>>, vector<1x16xi32>,
      %get3A_429 = vector.shape_cast %get3A_428 : vector<1x16xi32> to vector<16xi32>
      %mul3A_430 = arith.constant 640 : i32
      %mul3A_431 = vector.broadcast %mul3A_430 : i32 to vector<16xi32>
      %mul3A_432 = arith.muli %get3A_424, %mul3A_431 : vector<16xi32>
      %add3A_433 = arith.addi %mul3A_432, %get3A_429 : vector<16xi32>
      %mul3A_434 = arith.constant 16 : i32
      %mul3A_435 = arith.muli %scan3A_415, %mul3A_434 : i32
      %swap3A = arith.constant 0 : i32
      %swap3A_436 = arith.index_cast %swap3A : i32 to index
      %swap3A_437 = arith.index_cast %mul3A_435 : i32 to index
      %swap3A_438 = tpu.vector_load %arg5[%swap3A_436, %swap3A_437] {strides = array<i32>} : memref<10x128xi32, #tpu.memory_space<vmem>>, vector<1x16xi32>,
      %swap3A_439 = vector.shape_cast %swap3A_438 : vector<1x16xi32> to vector<16xi32>
      %swap3A_440 = vector.shape_cast %add3A_433 : vector<16xi32> to vector<1x16xi32>
      tpu.vector_store %arg5[%swap3A_436, %swap3A_437], %swap3A_440 {strides = array<i32>} : memref<10x128xi32, #tpu.memory_space<vmem>>, vector<1x16xi32>,
      %scan3A_441 = arith.constant 0 : i32
      scf.yield %scan3A_441 : i32
    }
    %scan3A_87 = arith.constant 8 : i32
    %scan3A_88 = arith.constant 0 : i32
    %scan3A_89 = arith.constant 0 : i32
    %scan3A_90 = arith.constant 8 : i32
    %scan3A_91 = arith.addi %scan3A_89, %scan3A_90 : i32
    %scan3A_92 = arith.constant 1 : i32
    %scan3A_93 = scf.for %scan3A_415 = %scan3A_89 to %scan3A_91 step %scan3A_92 iter_args(%scan3A_416 = %scan3A_88) -> (i32)  : i32 {
      %mul3A_417 = arith.constant 16 : i32
      %mul3A_418 = arith.muli %scan3A_415, %mul3A_417 : i32
      %add3A_419 = arith.constant 128 : i32
      %add3A_420 = arith.addi %add3A_419, %mul3A_418 : i32
      %get3A = arith.constant 1 : i32
      %get3A_421 = arith.index_cast %get3A : i32 to index
      %get3A_422 = arith.index_cast %add3A_420 : i32 to index
      %get3A_423 = tpu.vector_load %arg4[%get3A_421, %get3A_422] {strides = array<i32>} : memref<2x1280xi32, #tpu.memory_space<vmem>>, vector<1x16xi32>,
      %get3A_424 = vector.shape_cast %get3A_423 : vector<1x16xi32> to vector<16xi32>
      %get3A_425 = arith.constant 0 : i32
      %get3A_426 = arith.index_cast %get3A_425 : i32 to index
      %get3A_427 = arith.index_cast %add3A_420 : i32 to index
      %get3A_428 = tpu.vector_load %arg4[%get3A_426, %get3A_427] {strides = array<i32>} : memref<2x1280xi32, #tpu.memory_space<vmem>>, vector<1x16xi32>,
      %get3A_429 = vector.shape_cast %get3A_428 : vector<1x16xi32> to vector<16xi32>
      %mul3A_430 = arith.constant 640 : i32
      %mul3A_431 = vector.broadcast %mul3A_430 : i32 to vector<16xi32>
      %mul3A_432 = arith.muli %get3A_424, %mul3A_431 : vector<16xi32>
      %add3A_433 = arith.addi %mul3A_432, %get3A_429 : vector<16xi32>
      %mul3A_434 = arith.constant 16 : i32
      %mul3A_435 = arith.muli %scan3A_415, %mul3A_434 : i32
      %swap3A = arith.constant 1 : i32
      %swap3A_436 = arith.index_cast %swap3A : i32 to index
      %swap3A_437 = arith.index_cast %mul3A_435 : i32 to index
      %swap3A_438 = tpu.vector_load %arg5[%swap3A_436, %swap3A_437] {strides = array<i32>} : memref<10x128xi32, #tpu.memory_space<vmem>>, vector<1x16xi32>,
      %swap3A_439 = vector.shape_cast %swap3A_438 : vector<1x16xi32> to vector<16xi32>
      %swap3A_440 = vector.shape_cast %add3A_433 : vector<16xi32> to vector<1x16xi32>
      tpu.vector_store %arg5[%swap3A_436, %swap3A_437], %swap3A_440 {strides = array<i32>} : memref<10x128xi32, #tpu.memory_space<vmem>>, vector<1x16xi32>,
      %scan3A_441 = arith.constant 0 : i32
      scf.yield %scan3A_441 : i32
    }
    %scan3A_94 = arith.constant 8 : i32
    %scan3A_95 = arith.constant 0 : i32
    %scan3A_96 = arith.constant 0 : i32
    %scan3A_97 = arith.constant 8 : i32
    %scan3A_98 = arith.addi %scan3A_96, %scan3A_97 : i32
    %scan3A_99 = arith.constant 1 : i32
    %scan3A_100 = scf.for %scan3A_415 = %scan3A_96 to %scan3A_98 step %scan3A_99 iter_args(%scan3A_416 = %scan3A_95) -> (i32)  : i32 {
      %mul3A_417 = arith.constant 16 : i32
      %mul3A_418 = arith.muli %scan3A_415, %mul3A_417 : i32
      %add3A_419 = arith.constant 256 : i32
      %add3A_420 = arith.addi %add3A_419, %mul3A_418 : i32
      %get3A = arith.constant 1 : i32
      %get3A_421 = arith.index_cast %get3A : i32 to index
      %get3A_422 = arith.index_cast %add3A_420 : i32 to index
      %get3A_423 = tpu.vector_load %arg4[%get3A_421, %get3A_422] {strides = array<i32>} : memref<2x1280xi32, #tpu.memory_space<vmem>>, vector<1x16xi32>,
      %get3A_424 = vector.shape_cast %get3A_423 : vector<1x16xi32> to vector<16xi32>
      %get3A_425 = arith.constant 0 : i32
      %get3A_426 = arith.index_cast %get3A_425 : i32 to index
      %get3A_427 = arith.index_cast %add3A_420 : i32 to index
      %get3A_428 = tpu.vector_load %arg4[%get3A_426, %get3A_427] {strides = array<i32>} : memref<2x1280xi32, #tpu.memory_space<vmem>>, vector<1x16xi32>,
      %get3A_429 = vector.shape_cast %get3A_428 : vector<1x16xi32> to vector<16xi32>
      %mul3A_430 = arith.constant 640 : i32
      %mul3A_431 = vector.broadcast %mul3A_430 : i32 to vector<16xi32>
      %mul3A_432 = arith.muli %get3A_424, %mul3A_431 : vector<16xi32>
      %add3A_433 = arith.addi %mul3A_432, %get3A_429 : vector<16xi32>
      %mul3A_434 = arith.constant 16 : i32
      %mul3A_435 = arith.muli %scan3A_415, %mul3A_434 : i32
      %swap3A = arith.constant 2 : i32
      %swap3A_436 = arith.index_cast %swap3A : i32 to index
      %swap3A_437 = arith.index_cast %mul3A_435 : i32 to index
      %swap3A_438 = tpu.vector_load %arg5[%swap3A_436, %swap3A_437] {strides = array<i32>} : memref<10x128xi32, #tpu.memory_space<vmem>>, vector<1x16xi32>,
      %swap3A_439 = vector.shape_cast %swap3A_438 : vector<1x16xi32> to vector<16xi32>
      %swap3A_440 = vector.shape_cast %add3A_433 : vector<16xi32> to vector<1x16xi32>
      tpu.vector_store %arg5[%swap3A_436, %swap3A_437], %swap3A_440 {strides = array<i32>} : memref<10x128xi32, #tpu.memory_space<vmem>>, vector<1x16xi32>,
      %scan3A_441 = arith.constant 0 : i32
      scf.yield %scan3A_441 : i32
    }
    %scan3A_101 = arith.constant 8 : i32
    %scan3A_102 = arith.constant 0 : i32
    %scan3A_103 = arith.constant 0 : i32
    %scan3A_104 = arith.constant 8 : i32
    %scan3A_105 = arith.addi %scan3A_103, %scan3A_104 : i32
    %scan3A_106 = arith.constant 1 : i32
    %scan3A_107 = scf.for %scan3A_415 = %scan3A_103 to %scan3A_105 step %scan3A_106 iter_args(%scan3A_416 = %scan3A_102) -> (i32)  : i32 {
      %mul3A_417 = arith.constant 16 : i32
      %mul3A_418 = arith.muli %scan3A_415, %mul3A_417 : i32
      %add3A_419 = arith.constant 384 : i32
      %add3A_420 = arith.addi %add3A_419, %mul3A_418 : i32
      %get3A = arith.constant 1 : i32
      %get3A_421 = arith.index_cast %get3A : i32 to index
      %get3A_422 = arith.index_cast %add3A_420 : i32 to index
      %get3A_423 = tpu.vector_load %arg4[%get3A_421, %get3A_422] {strides = array<i32>} : memref<2x1280xi32, #tpu.memory_space<vmem>>, vector<1x16xi32>,
      %get3A_424 = vector.shape_cast %get3A_423 : vector<1x16xi32> to vector<16xi32>
      %get3A_425 = arith.constant 0 : i32
      %get3A_426 = arith.index_cast %get3A_425 : i32 to index
      %get3A_427 = arith.index_cast %add3A_420 : i32 to index
      %get3A_428 = tpu.vector_load %arg4[%get3A_426, %get3A_427] {strides = array<i32>} : memref<2x1280xi32, #tpu.memory_space<vmem>>, vector<1x16xi32>,
      %get3A_429 = vector.shape_cast %get3A_428 : vector<1x16xi32> to vector<16xi32>
      %mul3A_430 = arith.constant 640 : i32
      %mul3A_431 = vector.broadcast %mul3A_430 : i32 to vector<16xi32>
      %mul3A_432 = arith.muli %get3A_424, %mul3A_431 : vector<16xi32>
      %add3A_433 = arith.addi %mul3A_432, %get3A_429 : vector<16xi32>
      %mul3A_434 = arith.constant 16 : i32
      %mul3A_435 = arith.muli %scan3A_415, %mul3A_434 : i32
      %swap3A = arith.constant 3 : i32
      %swap3A_436 = arith.index_cast %swap3A : i32 to index
      %swap3A_437 = arith.index_cast %mul3A_435 : i32 to index
      %swap3A_438 = tpu.vector_load %arg5[%swap3A_436, %swap3A_437] {strides = array<i32>} : memref<10x128xi32, #tpu.memory_space<vmem>>, vector<1x16xi32>,
      %swap3A_439 = vector.shape_cast %swap3A_438 : vector<1x16xi32> to vector<16xi32>
      %swap3A_440 = vector.shape_cast %add3A_433 : vector<16xi32> to vector<1x16xi32>
      tpu.vector_store %arg5[%swap3A_436, %swap3A_437], %swap3A_440 {strides = array<i32>} : memref<10x128xi32, #tpu.memory_space<vmem>>, vector<1x16xi32>,
      %scan3A_441 = arith.constant 0 : i32
      scf.yield %scan3A_441 : i32
    }
    %scan3A_108 = arith.constant 8 : i32
    %scan3A_109 = arith.constant 0 : i32
    %scan3A_110 = arith.constant 0 : i32
    %scan3A_111 = arith.constant 8 : i32
    %scan3A_112 = arith.addi %scan3A_110, %scan3A_111 : i32
    %scan3A_113 = arith.constant 1 : i32
    %scan3A_114 = scf.for %scan3A_415 = %scan3A_110 to %scan3A_112 step %scan3A_113 iter_args(%scan3A_416 = %scan3A_109) -> (i32)  : i32 {
      %mul3A_417 = arith.constant 16 : i32
      %mul3A_418 = arith.muli %scan3A_415, %mul3A_417 : i32
      %add3A_419 = arith.constant 512 : i32
      %add3A_420 = arith.addi %add3A_419, %mul3A_418 : i32
      %get3A = arith.constant 1 : i32
      %get3A_421 = arith.index_cast %get3A : i32 to index
      %get3A_422 = arith.index_cast %add3A_420 : i32 to index
      %get3A_423 = tpu.vector_load %arg4[%get3A_421, %get3A_422] {strides = array<i32>} : memref<2x1280xi32, #tpu.memory_space<vmem>>, vector<1x16xi32>,
      %get3A_424 = vector.shape_cast %get3A_423 : vector<1x16xi32> to vector<16xi32>
      %get3A_425 = arith.constant 0 : i32
      %get3A_426 = arith.index_cast %get3A_425 : i32 to index
      %get3A_427 = arith.index_cast %add3A_420 : i32 to index
      %get3A_428 = tpu.vector_load %arg4[%get3A_426, %get3A_427] {strides = array<i32>} : memref<2x1280xi32, #tpu.memory_space<vmem>>, vector<1x16xi32>,
      %get3A_429 = vector.shape_cast %get3A_428 : vector<1x16xi32> to vector<16xi32>
      %mul3A_430 = arith.constant 640 : i32
      %mul3A_431 = vector.broadcast %mul3A_430 : i32 to vector<16xi32>
      %mul3A_432 = arith.muli %get3A_424, %mul3A_431 : vector<16xi32>
      %add3A_433 = arith.addi %mul3A_432, %get3A_429 : vector<16xi32>
      %mul3A_434 = arith.constant 16 : i32
      %mul3A_435 = arith.muli %scan3A_415, %mul3A_434 : i32
      %swap3A = arith.constant 4 : i32
      %swap3A_436 = arith.index_cast %swap3A : i32 to index
      %swap3A_437 = arith.index_cast %mul3A_435 : i32 to index
      %swap3A_438 = tpu.vector_load %arg5[%swap3A_436, %swap3A_437] {strides = array<i32>} : memref<10x128xi32, #tpu.memory_space<vmem>>, vector<1x16xi32>,
      %swap3A_439 = vector.shape_cast %swap3A_438 : vector<1x16xi32> to vector<16xi32>
      %swap3A_440 = vector.shape_cast %add3A_433 : vector<16xi32> to vector<1x16xi32>
      tpu.vector_store %arg5[%swap3A_436, %swap3A_437], %swap3A_440 {strides = array<i32>} : memref<10x128xi32, #tpu.memory_space<vmem>>, vector<1x16xi32>,
      %scan3A_441 = arith.constant 0 : i32
      scf.yield %scan3A_441 : i32
    }
    %scan3A_115 = arith.constant 8 : i32
    %scan3A_116 = arith.constant 0 : i32
    %scan3A_117 = arith.constant 0 : i32
    %scan3A_118 = arith.constant 8 : i32
    %scan3A_119 = arith.addi %scan3A_117, %scan3A_118 : i32
    %scan3A_120 = arith.constant 1 : i32
    %scan3A_121 = scf.for %scan3A_415 = %scan3A_117 to %scan3A_119 step %scan3A_120 iter_args(%scan3A_416 = %scan3A_116) -> (i32)  : i32 {
      %mul3A_417 = arith.constant 16 : i32
      %mul3A_418 = arith.muli %scan3A_415, %mul3A_417 : i32
      %add3A_419 = arith.constant 640 : i32
      %add3A_420 = arith.addi %add3A_419, %mul3A_418 : i32
      %get3A = arith.constant 1 : i32
      %get3A_421 = arith.index_cast %get3A : i32 to index
      %get3A_422 = arith.index_cast %add3A_420 : i32 to index
      %get3A_423 = tpu.vector_load %arg4[%get3A_421, %get3A_422] {strides = array<i32>} : memref<2x1280xi32, #tpu.memory_space<vmem>>, vector<1x16xi32>,
      %get3A_424 = vector.shape_cast %get3A_423 : vector<1x16xi32> to vector<16xi32>
      %get3A_425 = arith.constant 0 : i32
      %get3A_426 = arith.index_cast %get3A_425 : i32 to index
      %get3A_427 = arith.index_cast %add3A_420 : i32 to index
      %get3A_428 = tpu.vector_load %arg4[%get3A_426, %get3A_427] {strides = array<i32>} : memref<2x1280xi32, #tpu.memory_space<vmem>>, vector<1x16xi32>,
      %get3A_429 = vector.shape_cast %get3A_428 : vector<1x16xi32> to vector<16xi32>
      %mul3A_430 = arith.constant 640 : i32
      %mul3A_431 = vector.broadcast %mul3A_430 : i32 to vector<16xi32>
      %mul3A_432 = arith.muli %get3A_424, %mul3A_431 : vector<16xi32>
      %add3A_433 = arith.addi %mul3A_432, %get3A_429 : vector<16xi32>
      %mul3A_434 = arith.constant 16 : i32
      %mul3A_435 = arith.muli %scan3A_415, %mul3A_434 : i32
      %swap3A = arith.constant 5 : i32
      %swap3A_436 = arith.index_cast %swap3A : i32 to index
      %swap3A_437 = arith.index_cast %mul3A_435 : i32 to index
      %swap3A_438 = tpu.vector_load %arg5[%swap3A_436, %swap3A_437] {strides = array<i32>} : memref<10x128xi32, #tpu.memory_space<vmem>>, vector<1x16xi32>,
      %swap3A_439 = vector.shape_cast %swap3A_438 : vector<1x16xi32> to vector<16xi32>
      %swap3A_440 = vector.shape_cast %add3A_433 : vector<16xi32> to vector<1x16xi32>
      tpu.vector_store %arg5[%swap3A_436, %swap3A_437], %swap3A_440 {strides = array<i32>} : memref<10x128xi32, #tpu.memory_space<vmem>>, vector<1x16xi32>,
      %scan3A_441 = arith.constant 0 : i32
      scf.yield %scan3A_441 : i32
    }
    %scan3A_122 = arith.constant 8 : i32
    %scan3A_123 = arith.constant 0 : i32
    %scan3A_124 = arith.constant 0 : i32
    %scan3A_125 = arith.constant 8 : i32
    %scan3A_126 = arith.addi %scan3A_124, %scan3A_125 : i32
    %scan3A_127 = arith.constant 1 : i32
    %scan3A_128 = scf.for %scan3A_415 = %scan3A_124 to %scan3A_126 step %scan3A_127 iter_args(%scan3A_416 = %scan3A_123) -> (i32)  : i32 {
      %mul3A_417 = arith.constant 16 : i32
      %mul3A_418 = arith.muli %scan3A_415, %mul3A_417 : i32
      %add3A_419 = arith.constant 768 : i32
      %add3A_420 = arith.addi %add3A_419, %mul3A_418 : i32
      %get3A = arith.constant 1 : i32
      %get3A_421 = arith.index_cast %get3A : i32 to index
      %get3A_422 = arith.index_cast %add3A_420 : i32 to index
      %get3A_423 = tpu.vector_load %arg4[%get3A_421, %get3A_422] {strides = array<i32>} : memref<2x1280xi32, #tpu.memory_space<vmem>>, vector<1x16xi32>,
      %get3A_424 = vector.shape_cast %get3A_423 : vector<1x16xi32> to vector<16xi32>
      %get3A_425 = arith.constant 0 : i32
      %get3A_426 = arith.index_cast %get3A_425 : i32 to index
      %get3A_427 = arith.index_cast %add3A_420 : i32 to index
      %get3A_428 = tpu.vector_load %arg4[%get3A_426, %get3A_427] {strides = array<i32>} : memref<2x1280xi32, #tpu.memory_space<vmem>>, vector<1x16xi32>,
      %get3A_429 = vector.shape_cast %get3A_428 : vector<1x16xi32> to vector<16xi32>
      %mul3A_430 = arith.constant 640 : i32
      %mul3A_431 = vector.broadcast %mul3A_430 : i32 to vector<16xi32>
      %mul3A_432 = arith.muli %get3A_424, %mul3A_431 : vector<16xi32>
      %add3A_433 = arith.addi %mul3A_432, %get3A_429 : vector<16xi32>
      %mul3A_434 = arith.constant 16 : i32
      %mul3A_435 = arith.muli %scan3A_415, %mul3A_434 : i32
      %swap3A = arith.constant 6 : i32
      %swap3A_436 = arith.index_cast %swap3A : i32 to index
      %swap3A_437 = arith.index_cast %mul3A_435 : i32 to index
      %swap3A_438 = tpu.vector_load %arg5[%swap3A_436, %swap3A_437] {strides = array<i32>} : memref<10x128xi32, #tpu.memory_space<vmem>>, vector<1x16xi32>,
      %swap3A_439 = vector.shape_cast %swap3A_438 : vector<1x16xi32> to vector<16xi32>
      %swap3A_440 = vector.shape_cast %add3A_433 : vector<16xi32> to vector<1x16xi32>
      tpu.vector_store %arg5[%swap3A_436, %swap3A_437], %swap3A_440 {strides = array<i32>} : memref<10x128xi32, #tpu.memory_space<vmem>>, vector<1x16xi32>,
      %scan3A_441 = arith.constant 0 : i32
      scf.yield %scan3A_441 : i32
    }
    %scan3A_129 = arith.constant 8 : i32
    %scan3A_130 = arith.constant 0 : i32
    %scan3A_131 = arith.constant 0 : i32
    %scan3A_132 = arith.constant 8 : i32
    %scan3A_133 = arith.addi %scan3A_131, %scan3A_132 : i32
    %scan3A_134 = arith.constant 1 : i32
    %scan3A_135 = scf.for %scan3A_415 = %scan3A_131 to %scan3A_133 step %scan3A_134 iter_args(%scan3A_416 = %scan3A_130) -> (i32)  : i32 {
      %mul3A_417 = arith.constant 16 : i32
      %mul3A_418 = arith.muli %scan3A_415, %mul3A_417 : i32
      %add3A_419 = arith.constant 896 : i32
      %add3A_420 = arith.addi %add3A_419, %mul3A_418 : i32
      %get3A = arith.constant 1 : i32
      %get3A_421 = arith.index_cast %get3A : i32 to index
      %get3A_422 = arith.index_cast %add3A_420 : i32 to index
      %get3A_423 = tpu.vector_load %arg4[%get3A_421, %get3A_422] {strides = array<i32>} : memref<2x1280xi32, #tpu.memory_space<vmem>>, vector<1x16xi32>,
      %get3A_424 = vector.shape_cast %get3A_423 : vector<1x16xi32> to vector<16xi32>
      %get3A_425 = arith.constant 0 : i32
      %get3A_426 = arith.index_cast %get3A_425 : i32 to index
      %get3A_427 = arith.index_cast %add3A_420 : i32 to index
      %get3A_428 = tpu.vector_load %arg4[%get3A_426, %get3A_427] {strides = array<i32>} : memref<2x1280xi32, #tpu.memory_space<vmem>>, vector<1x16xi32>,
      %get3A_429 = vector.shape_cast %get3A_428 : vector<1x16xi32> to vector<16xi32>
      %mul3A_430 = arith.constant 640 : i32
      %mul3A_431 = vector.broadcast %mul3A_430 : i32 to vector<16xi32>
      %mul3A_432 = arith.muli %get3A_424, %mul3A_431 : vector<16xi32>
      %add3A_433 = arith.addi %mul3A_432, %get3A_429 : vector<16xi32>
      %mul3A_434 = arith.constant 16 : i32
      %mul3A_435 = arith.muli %scan3A_415, %mul3A_434 : i32
      %swap3A = arith.constant 7 : i32
      %swap3A_436 = arith.index_cast %swap3A : i32 to index
      %swap3A_437 = arith.index_cast %mul3A_435 : i32 to index
      %swap3A_438 = tpu.vector_load %arg5[%swap3A_436, %swap3A_437] {strides = array<i32>} : memref<10x128xi32, #tpu.memory_space<vmem>>, vector<1x16xi32>,
      %swap3A_439 = vector.shape_cast %swap3A_438 : vector<1x16xi32> to vector<16xi32>
      %swap3A_440 = vector.shape_cast %add3A_433 : vector<16xi32> to vector<1x16xi32>
      tpu.vector_store %arg5[%swap3A_436, %swap3A_437], %swap3A_440 {strides = array<i32>} : memref<10x128xi32, #tpu.memory_space<vmem>>, vector<1x16xi32>,
      %scan3A_441 = arith.constant 0 : i32
      scf.yield %scan3A_441 : i32
    }
    %scan3A_136 = arith.constant 8 : i32
    %scan3A_137 = arith.constant 0 : i32
    %scan3A_138 = arith.constant 0 : i32
    %scan3A_139 = arith.constant 8 : i32
    %scan3A_140 = arith.addi %scan3A_138, %scan3A_139 : i32
    %scan3A_141 = arith.constant 1 : i32
    %scan3A_142 = scf.for %scan3A_415 = %scan3A_138 to %scan3A_140 step %scan3A_141 iter_args(%scan3A_416 = %scan3A_137) -> (i32)  : i32 {
      %mul3A_417 = arith.constant 16 : i32
      %mul3A_418 = arith.muli %scan3A_415, %mul3A_417 : i32
      %add3A_419 = arith.constant 1024 : i32
      %add3A_420 = arith.addi %add3A_419, %mul3A_418 : i32
      %get3A = arith.constant 1 : i32
      %get3A_421 = arith.index_cast %get3A : i32 to index
      %get3A_422 = arith.index_cast %add3A_420 : i32 to index
      %get3A_423 = tpu.vector_load %arg4[%get3A_421, %get3A_422] {strides = array<i32>} : memref<2x1280xi32, #tpu.memory_space<vmem>>, vector<1x16xi32>,
      %get3A_424 = vector.shape_cast %get3A_423 : vector<1x16xi32> to vector<16xi32>
      %get3A_425 = arith.constant 0 : i32
      %get3A_426 = arith.index_cast %get3A_425 : i32 to index
      %get3A_427 = arith.index_cast %add3A_420 : i32 to index
      %get3A_428 = tpu.vector_load %arg4[%get3A_426, %get3A_427] {strides = array<i32>} : memref<2x1280xi32, #tpu.memory_space<vmem>>, vector<1x16xi32>,
      %get3A_429 = vector.shape_cast %get3A_428 : vector<1x16xi32> to vector<16xi32>
      %mul3A_430 = arith.constant 640 : i32
      %mul3A_431 = vector.broadcast %mul3A_430 : i32 to vector<16xi32>
      %mul3A_432 = arith.muli %get3A_424, %mul3A_431 : vector<16xi32>
      %add3A_433 = arith.addi %mul3A_432, %get3A_429 : vector<16xi32>
      %mul3A_434 = arith.constant 16 : i32
      %mul3A_435 = arith.muli %scan3A_415, %mul3A_434 : i32
      %swap3A = arith.constant 8 : i32
      %swap3A_436 = arith.index_cast %swap3A : i32 to index
      %swap3A_437 = arith.index_cast %mul3A_435 : i32 to index
      %swap3A_438 = tpu.vector_load %arg5[%swap3A_436, %swap3A_437] {strides = array<i32>} : memref<10x128xi32, #tpu.memory_space<vmem>>, vector<1x16xi32>,
      %swap3A_439 = vector.shape_cast %swap3A_438 : vector<1x16xi32> to vector<16xi32>
      %swap3A_440 = vector.shape_cast %add3A_433 : vector<16xi32> to vector<1x16xi32>
      tpu.vector_store %arg5[%swap3A_436, %swap3A_437], %swap3A_440 {strides = array<i32>} : memref<10x128xi32, #tpu.memory_space<vmem>>, vector<1x16xi32>,
      %scan3A_441 = arith.constant 0 : i32
      scf.yield %scan3A_441 : i32
    }
    %scan3A_143 = arith.constant 8 : i32
    %scan3A_144 = arith.constant 0 : i32
    %scan3A_145 = arith.constant 0 : i32
    %scan3A_146 = arith.constant 8 : i32
    %scan3A_147 = arith.addi %scan3A_145, %scan3A_146 : i32
    %scan3A_148 = arith.constant 1 : i32
    %scan3A_149 = scf.for %scan3A_415 = %scan3A_145 to %scan3A_147 step %scan3A_148 iter_args(%scan3A_416 = %scan3A_144) -> (i32)  : i32 {
      %mul3A_417 = arith.constant 16 : i32
      %mul3A_418 = arith.muli %scan3A_415, %mul3A_417 : i32
      %add3A_419 = arith.constant 1152 : i32
      %add3A_420 = arith.addi %add3A_419, %mul3A_418 : i32
      %get3A = arith.constant 1 : i32
      %get3A_421 = arith.index_cast %get3A : i32 to index
      %get3A_422 = arith.index_cast %add3A_420 : i32 to index
      %get3A_423 = tpu.vector_load %arg4[%get3A_421, %get3A_422] {strides = array<i32>} : memref<2x1280xi32, #tpu.memory_space<vmem>>, vector<1x16xi32>,
      %get3A_424 = vector.shape_cast %get3A_423 : vector<1x16xi32> to vector<16xi32>
      %get3A_425 = arith.constant 0 : i32
      %get3A_426 = arith.index_cast %get3A_425 : i32 to index
      %get3A_427 = arith.index_cast %add3A_420 : i32 to index
      %get3A_428 = tpu.vector_load %arg4[%get3A_426, %get3A_427] {strides = array<i32>} : memref<2x1280xi32, #tpu.memory_space<vmem>>, vector<1x16xi32>,
      %get3A_429 = vector.shape_cast %get3A_428 : vector<1x16xi32> to vector<16xi32>
      %mul3A_430 = arith.constant 640 : i32
      %mul3A_431 = vector.broadcast %mul3A_430 : i32 to vector<16xi32>
      %mul3A_432 = arith.muli %get3A_424, %mul3A_431 : vector<16xi32>
      %add3A_433 = arith.addi %mul3A_432, %get3A_429 : vector<16xi32>
      %mul3A_434 = arith.constant 16 : i32
      %mul3A_435 = arith.muli %scan3A_415, %mul3A_434 : i32
      %swap3A = arith.constant 9 : i32
      %swap3A_436 = arith.index_cast %swap3A : i32 to index
      %swap3A_437 = arith.index_cast %mul3A_435 : i32 to index
      %swap3A_438 = tpu.vector_load %arg5[%swap3A_436, %swap3A_437] {strides = array<i32>} : memref<10x128xi32, #tpu.memory_space<vmem>>, vector<1x16xi32>,
      %swap3A_439 = vector.shape_cast %swap3A_438 : vector<1x16xi32> to vector<16xi32>
      %swap3A_440 = vector.shape_cast %add3A_433 : vector<16xi32> to vector<1x16xi32>
      tpu.vector_store %arg5[%swap3A_436, %swap3A_437], %swap3A_440 {strides = array<i32>} : memref<10x128xi32, #tpu.memory_space<vmem>>, vector<1x16xi32>,
      %scan3A_441 = arith.constant 0 : i32
      scf.yield %scan3A_441 : i32
    }
    %scan3A_150 = arith.constant 8 : i32
    %dma_wait3A = arith.constant 0 : i32
    %dma_wait3A_151 = tpu.memref_slice %arg8[%dma_wait3A] : memref<3200xf32, #tpu.memory_space<vmem>> -> memref<3200xf32, #tpu.memory_space<vmem>>
    %dma_wait3A_152 = tpu.memref_slice %arg10[%add3A_10] : memref<400640xf32, #tpu.memory_space<vmem_shared>> -> memref<3200xf32, #tpu.memory_space<vmem_shared>>
    %dma_wait3A_153 = tpu.memref_slice %arg10[%add3A_10] : memref<400640xf32, #tpu.memory_space<vmem_shared>> -> memref<3200xf32, #tpu.memory_space<vmem_shared>>
    %dma_wait3A_154 = arith.constant 0 : i32
    %dma_wait3A_155 = tpu.memref_slice %arg8[%dma_wait3A_154] : memref<3200xf32, #tpu.memory_space<vmem>> -> memref<3200xf32, #tpu.memory_space<vmem>>
    tpu.wait_dma2 semaphore(%arg9 : memref<!tpu.dma_semaphore, #tpu.memory_space<semaphore_mem>>) src(%dma_wait3A_155 : memref<3200xf32, #tpu.memory_space<vmem>>) dst(%dma_wait3A_153 : memref<3200xf32, #tpu.memory_space<vmem_shared>>)
    %dma_wait3A_156 = arith.constant 0 : i32
    %dma_wait3A_157 = tpu.memref_slice %arg8[%dma_wait3A_156] : memref<3200xf32, #tpu.memory_space<vmem>> -> memref<3200xf32, #tpu.memory_space<vmem>>
    %dma_wait3A_158 = tpu.memref_slice %arg10[%add3A_17] : memref<400640xf32, #tpu.memory_space<vmem_shared>> -> memref<3200xf32, #tpu.memory_space<vmem_shared>>
    %dma_wait3A_159 = tpu.memref_slice %arg10[%add3A_17] : memref<400640xf32, #tpu.memory_space<vmem_shared>> -> memref<3200xf32, #tpu.memory_space<vmem_shared>>
    %dma_wait3A_160 = arith.constant 0 : i32
    %dma_wait3A_161 = tpu.memref_slice %arg8[%dma_wait3A_160] : memref<3200xf32, #tpu.memory_space<vmem>> -> memref<3200xf32, #tpu.memory_space<vmem>>
    tpu.wait_dma2 semaphore(%arg9 : memref<!tpu.dma_semaphore, #tpu.memory_space<semaphore_mem>>) src(%dma_wait3A_161 : memref<3200xf32, #tpu.memory_space<vmem>>) dst(%dma_wait3A_159 : memref<3200xf32, #tpu.memory_space<vmem_shared>>)
    %dma_wait3A_162 = arith.constant 0 : i32
    %dma_wait3A_163 = tpu.memref_slice %arg8[%dma_wait3A_162] : memref<3200xf32, #tpu.memory_space<vmem>> -> memref<3200xf32, #tpu.memory_space<vmem>>
    %dma_wait3A_164 = tpu.memref_slice %arg10[%add3A_25] : memref<400640xf32, #tpu.memory_space<vmem_shared>> -> memref<3200xf32, #tpu.memory_space<vmem_shared>>
    %dma_wait3A_165 = tpu.memref_slice %arg10[%add3A_25] : memref<400640xf32, #tpu.memory_space<vmem_shared>> -> memref<3200xf32, #tpu.memory_space<vmem_shared>>
    %dma_wait3A_166 = arith.constant 0 : i32
    %dma_wait3A_167 = tpu.memref_slice %arg8[%dma_wait3A_166] : memref<3200xf32, #tpu.memory_space<vmem>> -> memref<3200xf32, #tpu.memory_space<vmem>>
    tpu.wait_dma2 semaphore(%arg9 : memref<!tpu.dma_semaphore, #tpu.memory_space<semaphore_mem>>) src(%dma_wait3A_167 : memref<3200xf32, #tpu.memory_space<vmem>>) dst(%dma_wait3A_165 : memref<3200xf32, #tpu.memory_space<vmem_shared>>)
    %dma_wait3A_168 = arith.constant 0 : i32
    %dma_wait3A_169 = tpu.memref_slice %arg8[%dma_wait3A_168] : memref<3200xf32, #tpu.memory_space<vmem>> -> memref<3200xf32, #tpu.memory_space<vmem>>
    %dma_wait3A_170 = tpu.memref_slice %arg10[%add3A_33] : memref<400640xf32, #tpu.memory_space<vmem_shared>> -> memref<3200xf32, #tpu.memory_space<vmem_shared>>
    %dma_wait3A_171 = tpu.memref_slice %arg10[%add3A_33] : memref<400640xf32, #tpu.memory_space<vmem_shared>> -> memref<3200xf32, #tpu.memory_space<vmem_shared>>
    %dma_wait3A_172 = arith.constant 0 : i32
    %dma_wait3A_173 = tpu.memref_slice %arg8[%dma_wait3A_172] : memref<3200xf32, #tpu.memory_space<vmem>> -> memref<3200xf32, #tpu.memory_space<vmem>>
    tpu.wait_dma2 semaphore(%arg9 : memref<!tpu.dma_semaphore, #tpu.memory_space<semaphore_mem>>) src(%dma_wait3A_173 : memref<3200xf32, #tpu.memory_space<vmem>>) dst(%dma_wait3A_171 : memref<3200xf32, #tpu.memory_space<vmem_shared>>)
    %dma_wait3A_174 = arith.constant 0 : i32
    %dma_wait3A_175 = tpu.memref_slice %arg8[%dma_wait3A_174] : memref<3200xf32, #tpu.memory_space<vmem>> -> memref<3200xf32, #tpu.memory_space<vmem>>
    %dma_wait3A_176 = tpu.memref_slice %arg10[%add3A_41] : memref<400640xf32, #tpu.memory_space<vmem_shared>> -> memref<3200xf32, #tpu.memory_space<vmem_shared>>
    %dma_wait3A_177 = tpu.memref_slice %arg10[%add3A_41] : memref<400640xf32, #tpu.memory_space<vmem_shared>> -> memref<3200xf32, #tpu.memory_space<vmem_shared>>
    %dma_wait3A_178 = arith.constant 0 : i32
    %dma_wait3A_179 = tpu.memref_slice %arg8[%dma_wait3A_178] : memref<3200xf32, #tpu.memory_space<vmem>> -> memref<3200xf32, #tpu.memory_space<vmem>>
    tpu.wait_dma2 semaphore(%arg9 : memref<!tpu.dma_semaphore, #tpu.memory_space<semaphore_mem>>) src(%dma_wait3A_179 : memref<3200xf32, #tpu.memory_space<vmem>>) dst(%dma_wait3A_177 : memref<3200xf32, #tpu.memory_space<vmem_shared>>)
    %dma_wait3A_180 = arith.constant 0 : i32
    %dma_wait3A_181 = tpu.memref_slice %arg8[%dma_wait3A_180] : memref<3200xf32, #tpu.memory_space<vmem>> -> memref<3200xf32, #tpu.memory_space<vmem>>
    %dma_wait3A_182 = tpu.memref_slice %arg10[%add3A_49] : memref<400640xf32, #tpu.memory_space<vmem_shared>> -> memref<3200xf32, #tpu.memory_space<vmem_shared>>
    %dma_wait3A_183 = tpu.memref_slice %arg10[%add3A_49] : memref<400640xf32, #tpu.memory_space<vmem_shared>> -> memref<3200xf32, #tpu.memory_space<vmem_shared>>
    %dma_wait3A_184 = arith.constant 0 : i32
    %dma_wait3A_185 = tpu.memref_slice %arg8[%dma_wait3A_184] : memref<3200xf32, #tpu.memory_space<vmem>> -> memref<3200xf32, #tpu.memory_space<vmem>>
    tpu.wait_dma2 semaphore(%arg9 : memref<!tpu.dma_semaphore, #tpu.memory_space<semaphore_mem>>) src(%dma_wait3A_185 : memref<3200xf32, #tpu.memory_space<vmem>>) dst(%dma_wait3A_183 : memref<3200xf32, #tpu.memory_space<vmem_shared>>)
    %dma_wait3A_186 = arith.constant 0 : i32
    %dma_wait3A_187 = tpu.memref_slice %arg8[%dma_wait3A_186] : memref<3200xf32, #tpu.memory_space<vmem>> -> memref<3200xf32, #tpu.memory_space<vmem>>
    %dma_wait3A_188 = tpu.memref_slice %arg10[%add3A_57] : memref<400640xf32, #tpu.memory_space<vmem_shared>> -> memref<3200xf32, #tpu.memory_space<vmem_shared>>
    %dma_wait3A_189 = tpu.memref_slice %arg10[%add3A_57] : memref<400640xf32, #tpu.memory_space<vmem_shared>> -> memref<3200xf32, #tpu.memory_space<vmem_shared>>
    %dma_wait3A_190 = arith.constant 0 : i32
    %dma_wait3A_191 = tpu.memref_slice %arg8[%dma_wait3A_190] : memref<3200xf32, #tpu.memory_space<vmem>> -> memref<3200xf32, #tpu.memory_space<vmem>>
    tpu.wait_dma2 semaphore(%arg9 : memref<!tpu.dma_semaphore, #tpu.memory_space<semaphore_mem>>) src(%dma_wait3A_191 : memref<3200xf32, #tpu.memory_space<vmem>>) dst(%dma_wait3A_189 : memref<3200xf32, #tpu.memory_space<vmem_shared>>)
    %dma_wait3A_192 = arith.constant 0 : i32
    %dma_wait3A_193 = tpu.memref_slice %arg8[%dma_wait3A_192] : memref<3200xf32, #tpu.memory_space<vmem>> -> memref<2640xf32, #tpu.memory_space<vmem>>
    %dma_wait3A_194 = tpu.memref_slice %arg10[%add3A_65] : memref<400640xf32, #tpu.memory_space<vmem_shared>> -> memref<2640xf32, #tpu.memory_space<vmem_shared>>
    %dma_wait3A_195 = tpu.memref_slice %arg10[%add3A_65] : memref<400640xf32, #tpu.memory_space<vmem_shared>> -> memref<2640xf32, #tpu.memory_space<vmem_shared>>
    %dma_wait3A_196 = arith.constant 0 : i32
    %dma_wait3A_197 = tpu.memref_slice %arg8[%dma_wait3A_196] : memref<3200xf32, #tpu.memory_space<vmem>> -> memref<2640xf32, #tpu.memory_space<vmem>>
    tpu.wait_dma2 semaphore(%arg9 : memref<!tpu.dma_semaphore, #tpu.memory_space<semaphore_mem>>) src(%dma_wait3A_197 : memref<2640xf32, #tpu.memory_space<vmem>>) dst(%dma_wait3A_195 : memref<2640xf32, #tpu.memory_space<vmem_shared>>)
    %barrier3A = arith.constant 0 : index
    tpu.barrier barrier_id(%barrier3A)
    %dma_start3A_198 = arith.constant 0 : i32
    %dma_start3A_199 = arith.constant 0 : i32
    %dma_start3A_200 = arith.constant 0 : i32
    %dma_start3A_201 = tpu.memref_slice %arg6[%dma_start3A_198, %dma_start3A_200] : memref<1x128xf32, #tpu.memory_space<vmem>> -> memref<1x128xf32, #tpu.memory_space<vmem>>
    %dma_start3A_202 = tpu.memref_squeeze %dma_start3A_201 : memref<1x128xf32, #tpu.memory_space<vmem>> -> memref<128xf32, #tpu.memory_space<vmem>>
    %dma_start3A_203 = arith.constant 0 : i32
    %dma_start3A_204 = tpu.memref_slice %arg5[%dma_start3A_199, %dma_start3A_203] : memref<10x128xi32, #tpu.memory_space<vmem>> -> memref<1x128xi32, #tpu.memory_space<vmem>>
    %dma_start3A_205 = tpu.memref_squeeze %dma_start3A_204 : memref<1x128xi32, #tpu.memory_space<vmem>> -> memref<128xi32, #tpu.memory_space<vmem>>
    %dma_start3A_206 = arith.constant 0 : i32
    %dma_start3A_207 = tpu.memref_slice %arg10[%dma_start3A_206] : memref<400640xf32, #tpu.memory_space<vmem_shared>> -> memref<400640xf32, #tpu.memory_space<vmem_shared>>
    tpu.enqueue_indirect_dma source(%dma_start3A_202 : memref<128xf32, #tpu.memory_space<vmem>>) target(%dma_start3A_207 : memref<400640xf32, #tpu.memory_space<vmem_shared>>) offsets(%dma_start3A_205 : memref<128xi32, #tpu.memory_space<vmem>>) semaphore(%arg9 : memref<!tpu.dma_semaphore, #tpu.memory_space<semaphore_mem>>) {add = true}
    %dma_start3A_208 = arith.constant 0 : i32
    %dma_start3A_209 = arith.constant 1 : i32
    %dma_start3A_210 = arith.constant 0 : i32
    %dma_start3A_211 = tpu.memref_slice %arg6[%dma_start3A_208, %dma_start3A_210] : memref<1x128xf32, #tpu.memory_space<vmem>> -> memref<1x128xf32, #tpu.memory_space<vmem>>
    %dma_start3A_212 = tpu.memref_squeeze %dma_start3A_211 : memref<1x128xf32, #tpu.memory_space<vmem>> -> memref<128xf32, #tpu.memory_space<vmem>>
    %dma_start3A_213 = arith.constant 0 : i32
    %dma_start3A_214 = tpu.memref_slice %arg5[%dma_start3A_209, %dma_start3A_213] : memref<10x128xi32, #tpu.memory_space<vmem>> -> memref<1x128xi32, #tpu.memory_space<vmem>>
    %dma_start3A_215 = tpu.memref_squeeze %dma_start3A_214 : memref<1x128xi32, #tpu.memory_space<vmem>> -> memref<128xi32, #tpu.memory_space<vmem>>
    %dma_start3A_216 = arith.constant 0 : i32
    %dma_start3A_217 = tpu.memref_slice %arg10[%dma_start3A_216] : memref<400640xf32, #tpu.memory_space<vmem_shared>> -> memref<400640xf32, #tpu.memory_space<vmem_shared>>
    tpu.enqueue_indirect_dma source(%dma_start3A_212 : memref<128xf32, #tpu.memory_space<vmem>>) target(%dma_start3A_217 : memref<400640xf32, #tpu.memory_space<vmem_shared>>) offsets(%dma_start3A_215 : memref<128xi32, #tpu.memory_space<vmem>>) semaphore(%arg9 : memref<!tpu.dma_semaphore, #tpu.memory_space<semaphore_mem>>) {add = true}
    %dma_start3A_218 = arith.constant 0 : i32
    %dma_start3A_219 = arith.constant 2 : i32
    %dma_start3A_220 = arith.constant 0 : i32
    %dma_start3A_221 = tpu.memref_slice %arg6[%dma_start3A_218, %dma_start3A_220] : memref<1x128xf32, #tpu.memory_space<vmem>> -> memref<1x128xf32, #tpu.memory_space<vmem>>
    %dma_start3A_222 = tpu.memref_squeeze %dma_start3A_221 : memref<1x128xf32, #tpu.memory_space<vmem>> -> memref<128xf32, #tpu.memory_space<vmem>>
    %dma_start3A_223 = arith.constant 0 : i32
    %dma_start3A_224 = tpu.memref_slice %arg5[%dma_start3A_219, %dma_start3A_223] : memref<10x128xi32, #tpu.memory_space<vmem>> -> memref<1x128xi32, #tpu.memory_space<vmem>>
    %dma_start3A_225 = tpu.memref_squeeze %dma_start3A_224 : memref<1x128xi32, #tpu.memory_space<vmem>> -> memref<128xi32, #tpu.memory_space<vmem>>
    %dma_start3A_226 = arith.constant 0 : i32
    %dma_start3A_227 = tpu.memref_slice %arg10[%dma_start3A_226] : memref<400640xf32, #tpu.memory_space<vmem_shared>> -> memref<400640xf32, #tpu.memory_space<vmem_shared>>
    tpu.enqueue_indirect_dma source(%dma_start3A_222 : memref<128xf32, #tpu.memory_space<vmem>>) target(%dma_start3A_227 : memref<400640xf32, #tpu.memory_space<vmem_shared>>) offsets(%dma_start3A_225 : memref<128xi32, #tpu.memory_space<vmem>>) semaphore(%arg9 : memref<!tpu.dma_semaphore, #tpu.memory_space<semaphore_mem>>) {add = true}
    %dma_start3A_228 = arith.constant 0 : i32
    %dma_start3A_229 = arith.constant 3 : i32
    %dma_start3A_230 = arith.constant 0 : i32
    %dma_start3A_231 = tpu.memref_slice %arg6[%dma_start3A_228, %dma_start3A_230] : memref<1x128xf32, #tpu.memory_space<vmem>> -> memref<1x128xf32, #tpu.memory_space<vmem>>
    %dma_start3A_232 = tpu.memref_squeeze %dma_start3A_231 : memref<1x128xf32, #tpu.memory_space<vmem>> -> memref<128xf32, #tpu.memory_space<vmem>>
    %dma_start3A_233 = arith.constant 0 : i32
    %dma_start3A_234 = tpu.memref_slice %arg5[%dma_start3A_229, %dma_start3A_233] : memref<10x128xi32, #tpu.memory_space<vmem>> -> memref<1x128xi32, #tpu.memory_space<vmem>>
    %dma_start3A_235 = tpu.memref_squeeze %dma_start3A_234 : memref<1x128xi32, #tpu.memory_space<vmem>> -> memref<128xi32, #tpu.memory_space<vmem>>
    %dma_start3A_236 = arith.constant 0 : i32
    %dma_start3A_237 = tpu.memref_slice %arg10[%dma_start3A_236] : memref<400640xf32, #tpu.memory_space<vmem_shared>> -> memref<400640xf32, #tpu.memory_space<vmem_shared>>
    tpu.enqueue_indirect_dma source(%dma_start3A_232 : memref<128xf32, #tpu.memory_space<vmem>>) target(%dma_start3A_237 : memref<400640xf32, #tpu.memory_space<vmem_shared>>) offsets(%dma_start3A_235 : memref<128xi32, #tpu.memory_space<vmem>>) semaphore(%arg9 : memref<!tpu.dma_semaphore, #tpu.memory_space<semaphore_mem>>) {add = true}
    %dma_start3A_238 = arith.constant 0 : i32
    %dma_start3A_239 = arith.constant 4 : i32
    %dma_start3A_240 = arith.constant 0 : i32
    %dma_start3A_241 = tpu.memref_slice %arg6[%dma_start3A_238, %dma_start3A_240] : memref<1x128xf32, #tpu.memory_space<vmem>> -> memref<1x128xf32, #tpu.memory_space<vmem>>
    %dma_start3A_242 = tpu.memref_squeeze %dma_start3A_241 : memref<1x128xf32, #tpu.memory_space<vmem>> -> memref<128xf32, #tpu.memory_space<vmem>>
    %dma_start3A_243 = arith.constant 0 : i32
    %dma_start3A_244 = tpu.memref_slice %arg5[%dma_start3A_239, %dma_start3A_243] : memref<10x128xi32, #tpu.memory_space<vmem>> -> memref<1x128xi32, #tpu.memory_space<vmem>>
    %dma_start3A_245 = tpu.memref_squeeze %dma_start3A_244 : memref<1x128xi32, #tpu.memory_space<vmem>> -> memref<128xi32, #tpu.memory_space<vmem>>
    %dma_start3A_246 = arith.constant 0 : i32
    %dma_start3A_247 = tpu.memref_slice %arg10[%dma_start3A_246] : memref<400640xf32, #tpu.memory_space<vmem_shared>> -> memref<400640xf32, #tpu.memory_space<vmem_shared>>
    tpu.enqueue_indirect_dma source(%dma_start3A_242 : memref<128xf32, #tpu.memory_space<vmem>>) target(%dma_start3A_247 : memref<400640xf32, #tpu.memory_space<vmem_shared>>) offsets(%dma_start3A_245 : memref<128xi32, #tpu.memory_space<vmem>>) semaphore(%arg9 : memref<!tpu.dma_semaphore, #tpu.memory_space<semaphore_mem>>) {add = true}
    %dma_start3A_248 = arith.constant 0 : i32
    %dma_start3A_249 = arith.constant 5 : i32
    %dma_start3A_250 = arith.constant 0 : i32
    %dma_start3A_251 = tpu.memref_slice %arg6[%dma_start3A_248, %dma_start3A_250] : memref<1x128xf32, #tpu.memory_space<vmem>> -> memref<1x128xf32, #tpu.memory_space<vmem>>
    %dma_start3A_252 = tpu.memref_squeeze %dma_start3A_251 : memref<1x128xf32, #tpu.memory_space<vmem>> -> memref<128xf32, #tpu.memory_space<vmem>>
    %dma_start3A_253 = arith.constant 0 : i32
    %dma_start3A_254 = tpu.memref_slice %arg5[%dma_start3A_249, %dma_start3A_253] : memref<10x128xi32, #tpu.memory_space<vmem>> -> memref<1x128xi32, #tpu.memory_space<vmem>>
    %dma_start3A_255 = tpu.memref_squeeze %dma_start3A_254 : memref<1x128xi32, #tpu.memory_space<vmem>> -> memref<128xi32, #tpu.memory_space<vmem>>
    %dma_start3A_256 = arith.constant 0 : i32
    %dma_start3A_257 = tpu.memref_slice %arg10[%dma_start3A_256] : memref<400640xf32, #tpu.memory_space<vmem_shared>> -> memref<400640xf32, #tpu.memory_space<vmem_shared>>
    tpu.enqueue_indirect_dma source(%dma_start3A_252 : memref<128xf32, #tpu.memory_space<vmem>>) target(%dma_start3A_257 : memref<400640xf32, #tpu.memory_space<vmem_shared>>) offsets(%dma_start3A_255 : memref<128xi32, #tpu.memory_space<vmem>>) semaphore(%arg9 : memref<!tpu.dma_semaphore, #tpu.memory_space<semaphore_mem>>) {add = true}
    %dma_start3A_258 = arith.constant 0 : i32
    %dma_start3A_259 = arith.constant 6 : i32
    %dma_start3A_260 = arith.constant 0 : i32
    %dma_start3A_261 = tpu.memref_slice %arg6[%dma_start3A_258, %dma_start3A_260] : memref<1x128xf32, #tpu.memory_space<vmem>> -> memref<1x128xf32, #tpu.memory_space<vmem>>
    %dma_start3A_262 = tpu.memref_squeeze %dma_start3A_261 : memref<1x128xf32, #tpu.memory_space<vmem>> -> memref<128xf32, #tpu.memory_space<vmem>>
    %dma_start3A_263 = arith.constant 0 : i32
    %dma_start3A_264 = tpu.memref_slice %arg5[%dma_start3A_259, %dma_start3A_263] : memref<10x128xi32, #tpu.memory_space<vmem>> -> memref<1x128xi32, #tpu.memory_space<vmem>>
    %dma_start3A_265 = tpu.memref_squeeze %dma_start3A_264 : memref<1x128xi32, #tpu.memory_space<vmem>> -> memref<128xi32, #tpu.memory_space<vmem>>
    %dma_start3A_266 = arith.constant 0 : i32
    %dma_start3A_267 = tpu.memref_slice %arg10[%dma_start3A_266] : memref<400640xf32, #tpu.memory_space<vmem_shared>> -> memref<400640xf32, #tpu.memory_space<vmem_shared>>
    tpu.enqueue_indirect_dma source(%dma_start3A_262 : memref<128xf32, #tpu.memory_space<vmem>>) target(%dma_start3A_267 : memref<400640xf32, #tpu.memory_space<vmem_shared>>) offsets(%dma_start3A_265 : memref<128xi32, #tpu.memory_space<vmem>>) semaphore(%arg9 : memref<!tpu.dma_semaphore, #tpu.memory_space<semaphore_mem>>) {add = true}
    %dma_start3A_268 = arith.constant 0 : i32
    %dma_start3A_269 = arith.constant 7 : i32
    %dma_start3A_270 = arith.constant 0 : i32
    %dma_start3A_271 = tpu.memref_slice %arg6[%dma_start3A_268, %dma_start3A_270] : memref<1x128xf32, #tpu.memory_space<vmem>> -> memref<1x128xf32, #tpu.memory_space<vmem>>
    %dma_start3A_272 = tpu.memref_squeeze %dma_start3A_271 : memref<1x128xf32, #tpu.memory_space<vmem>> -> memref<128xf32, #tpu.memory_space<vmem>>
    %dma_start3A_273 = arith.constant 0 : i32
    %dma_start3A_274 = tpu.memref_slice %arg5[%dma_start3A_269, %dma_start3A_273] : memref<10x128xi32, #tpu.memory_space<vmem>> -> memref<1x128xi32, #tpu.memory_space<vmem>>
    %dma_start3A_275 = tpu.memref_squeeze %dma_start3A_274 : memref<1x128xi32, #tpu.memory_space<vmem>> -> memref<128xi32, #tpu.memory_space<vmem>>
    %dma_start3A_276 = arith.constant 0 : i32
    %dma_start3A_277 = tpu.memref_slice %arg10[%dma_start3A_276] : memref<400640xf32, #tpu.memory_space<vmem_shared>> -> memref<400640xf32, #tpu.memory_space<vmem_shared>>
    tpu.enqueue_indirect_dma source(%dma_start3A_272 : memref<128xf32, #tpu.memory_space<vmem>>) target(%dma_start3A_277 : memref<400640xf32, #tpu.memory_space<vmem_shared>>) offsets(%dma_start3A_275 : memref<128xi32, #tpu.memory_space<vmem>>) semaphore(%arg9 : memref<!tpu.dma_semaphore, #tpu.memory_space<semaphore_mem>>) {add = true}
    %dma_start3A_278 = arith.constant 0 : i32
    %dma_start3A_279 = arith.constant 8 : i32
    %dma_start3A_280 = arith.constant 0 : i32
    %dma_start3A_281 = tpu.memref_slice %arg6[%dma_start3A_278, %dma_start3A_280] : memref<1x128xf32, #tpu.memory_space<vmem>> -> memref<1x128xf32, #tpu.memory_space<vmem>>
    %dma_start3A_282 = tpu.memref_squeeze %dma_start3A_281 : memref<1x128xf32, #tpu.memory_space<vmem>> -> memref<128xf32, #tpu.memory_space<vmem>>
    %dma_start3A_283 = arith.constant 0 : i32
    %dma_start3A_284 = tpu.memref_slice %arg5[%dma_start3A_279, %dma_start3A_283] : memref<10x128xi32, #tpu.memory_space<vmem>> -> memref<1x128xi32, #tpu.memory_space<vmem>>
    %dma_start3A_285 = tpu.memref_squeeze %dma_start3A_284 : memref<1x128xi32, #tpu.memory_space<vmem>> -> memref<128xi32, #tpu.memory_space<vmem>>
    %dma_start3A_286 = arith.constant 0 : i32
    %dma_start3A_287 = tpu.memref_slice %arg10[%dma_start3A_286] : memref<400640xf32, #tpu.memory_space<vmem_shared>> -> memref<400640xf32, #tpu.memory_space<vmem_shared>>
    tpu.enqueue_indirect_dma source(%dma_start3A_282 : memref<128xf32, #tpu.memory_space<vmem>>) target(%dma_start3A_287 : memref<400640xf32, #tpu.memory_space<vmem_shared>>) offsets(%dma_start3A_285 : memref<128xi32, #tpu.memory_space<vmem>>) semaphore(%arg9 : memref<!tpu.dma_semaphore, #tpu.memory_space<semaphore_mem>>) {add = true}
    %dma_start3A_288 = arith.constant 0 : i32
    %dma_start3A_289 = arith.constant 9 : i32
    %dma_start3A_290 = arith.constant 0 : i32
    %dma_start3A_291 = tpu.memref_slice %arg6[%dma_start3A_288, %dma_start3A_290] : memref<1x128xf32, #tpu.memory_space<vmem>> -> memref<1x128xf32, #tpu.memory_space<vmem>>
    %dma_start3A_292 = tpu.memref_squeeze %dma_start3A_291 : memref<1x128xf32, #tpu.memory_space<vmem>> -> memref<128xf32, #tpu.memory_space<vmem>>
    %dma_start3A_293 = arith.constant 0 : i32
    %dma_start3A_294 = tpu.memref_slice %arg5[%dma_start3A_289, %dma_start3A_293] : memref<10x128xi32, #tpu.memory_space<vmem>> -> memref<1x128xi32, #tpu.memory_space<vmem>>
    %dma_start3A_295 = tpu.memref_squeeze %dma_start3A_294 : memref<1x128xi32, #tpu.memory_space<vmem>> -> memref<128xi32, #tpu.memory_space<vmem>>
    %dma_start3A_296 = arith.constant 0 : i32
    %dma_start3A_297 = tpu.memref_slice %arg10[%dma_start3A_296] : memref<400640xf32, #tpu.memory_space<vmem_shared>> -> memref<400640xf32, #tpu.memory_space<vmem_shared>>
    tpu.enqueue_indirect_dma source(%dma_start3A_292 : memref<128xf32, #tpu.memory_space<vmem>>) target(%dma_start3A_297 : memref<400640xf32, #tpu.memory_space<vmem_shared>>) offsets(%dma_start3A_295 : memref<128xi32, #tpu.memory_space<vmem>>) semaphore(%arg9 : memref<!tpu.dma_semaphore, #tpu.memory_space<semaphore_mem>>) {add = true}
    %dma_wait3A_298 = arith.constant 0 : i32
    %dma_wait3A_299 = arith.constant 0 : i32
    %dma_wait3A_300 = arith.constant 0 : i32
    %dma_wait3A_301 = tpu.memref_slice %arg6[%dma_wait3A_298, %dma_wait3A_300] : memref<1x128xf32, #tpu.memory_space<vmem>> -> memref<1x128xf32, #tpu.memory_space<vmem>>
    %dma_wait3A_302 = tpu.memref_squeeze %dma_wait3A_301 : memref<1x128xf32, #tpu.memory_space<vmem>> -> memref<128xf32, #tpu.memory_space<vmem>>
    %dma_wait3A_303 = arith.constant 0 : i32
    %dma_wait3A_304 = tpu.memref_slice %arg5[%dma_wait3A_299, %dma_wait3A_303] : memref<10x128xi32, #tpu.memory_space<vmem>> -> memref<1x128xi32, #tpu.memory_space<vmem>>
    %dma_wait3A_305 = tpu.memref_squeeze %dma_wait3A_304 : memref<1x128xi32, #tpu.memory_space<vmem>> -> memref<128xi32, #tpu.memory_space<vmem>>
    %dma_wait3A_306 = arith.constant 0 : i32
    %dma_wait3A_307 = tpu.memref_slice %arg10[%dma_wait3A_306] : memref<400640xf32, #tpu.memory_space<vmem_shared>> -> memref<400640xf32, #tpu.memory_space<vmem_shared>>
    tpu.wait_indirect_dma semaphore(%arg9 : memref<!tpu.dma_semaphore, #tpu.memory_space<semaphore_mem>>) src(%dma_wait3A_302 : memref<128xf32, #tpu.memory_space<vmem>>) dst(%dma_wait3A_307 : memref<400640xf32, #tpu.memory_space<vmem_shared>>)
    %dma_wait3A_308 = arith.constant 0 : i32
    %dma_wait3A_309 = arith.constant 1 : i32
    %dma_wait3A_310 = arith.constant 0 : i32
    %dma_wait3A_311 = tpu.memref_slice %arg6[%dma_wait3A_308, %dma_wait3A_310] : memref<1x128xf32, #tpu.memory_space<vmem>> -> memref<1x128xf32, #tpu.memory_space<vmem>>
    %dma_wait3A_312 = tpu.memref_squeeze %dma_wait3A_311 : memref<1x128xf32, #tpu.memory_space<vmem>> -> memref<128xf32, #tpu.memory_space<vmem>>
    %dma_wait3A_313 = arith.constant 0 : i32
    %dma_wait3A_314 = tpu.memref_slice %arg5[%dma_wait3A_309, %dma_wait3A_313] : memref<10x128xi32, #tpu.memory_space<vmem>> -> memref<1x128xi32, #tpu.memory_space<vmem>>
    %dma_wait3A_315 = tpu.memref_squeeze %dma_wait3A_314 : memref<1x128xi32, #tpu.memory_space<vmem>> -> memref<128xi32, #tpu.memory_space<vmem>>
    %dma_wait3A_316 = arith.constant 0 : i32
    %dma_wait3A_317 = tpu.memref_slice %arg10[%dma_wait3A_316] : memref<400640xf32, #tpu.memory_space<vmem_shared>> -> memref<400640xf32, #tpu.memory_space<vmem_shared>>
    tpu.wait_indirect_dma semaphore(%arg9 : memref<!tpu.dma_semaphore, #tpu.memory_space<semaphore_mem>>) src(%dma_wait3A_312 : memref<128xf32, #tpu.memory_space<vmem>>) dst(%dma_wait3A_317 : memref<400640xf32, #tpu.memory_space<vmem_shared>>)
    %dma_wait3A_318 = arith.constant 0 : i32
    %dma_wait3A_319 = arith.constant 2 : i32
    %dma_wait3A_320 = arith.constant 0 : i32
    %dma_wait3A_321 = tpu.memref_slice %arg6[%dma_wait3A_318, %dma_wait3A_320] : memref<1x128xf32, #tpu.memory_space<vmem>> -> memref<1x128xf32, #tpu.memory_space<vmem>>
    %dma_wait3A_322 = tpu.memref_squeeze %dma_wait3A_321 : memref<1x128xf32, #tpu.memory_space<vmem>> -> memref<128xf32, #tpu.memory_space<vmem>>
    %dma_wait3A_323 = arith.constant 0 : i32
    %dma_wait3A_324 = tpu.memref_slice %arg5[%dma_wait3A_319, %dma_wait3A_323] : memref<10x128xi32, #tpu.memory_space<vmem>> -> memref<1x128xi32, #tpu.memory_space<vmem>>
    %dma_wait3A_325 = tpu.memref_squeeze %dma_wait3A_324 : memref<1x128xi32, #tpu.memory_space<vmem>> -> memref<128xi32, #tpu.memory_space<vmem>>
    %dma_wait3A_326 = arith.constant 0 : i32
    %dma_wait3A_327 = tpu.memref_slice %arg10[%dma_wait3A_326] : memref<400640xf32, #tpu.memory_space<vmem_shared>> -> memref<400640xf32, #tpu.memory_space<vmem_shared>>
    tpu.wait_indirect_dma semaphore(%arg9 : memref<!tpu.dma_semaphore, #tpu.memory_space<semaphore_mem>>) src(%dma_wait3A_322 : memref<128xf32, #tpu.memory_space<vmem>>) dst(%dma_wait3A_327 : memref<400640xf32, #tpu.memory_space<vmem_shared>>)
    %dma_wait3A_328 = arith.constant 0 : i32
    %dma_wait3A_329 = arith.constant 3 : i32
    %dma_wait3A_330 = arith.constant 0 : i32
    %dma_wait3A_331 = tpu.memref_slice %arg6[%dma_wait3A_328, %dma_wait3A_330] : memref<1x128xf32, #tpu.memory_space<vmem>> -> memref<1x128xf32, #tpu.memory_space<vmem>>
    %dma_wait3A_332 = tpu.memref_squeeze %dma_wait3A_331 : memref<1x128xf32, #tpu.memory_space<vmem>> -> memref<128xf32, #tpu.memory_space<vmem>>
    %dma_wait3A_333 = arith.constant 0 : i32
    %dma_wait3A_334 = tpu.memref_slice %arg5[%dma_wait3A_329, %dma_wait3A_333] : memref<10x128xi32, #tpu.memory_space<vmem>> -> memref<1x128xi32, #tpu.memory_space<vmem>>
    %dma_wait3A_335 = tpu.memref_squeeze %dma_wait3A_334 : memref<1x128xi32, #tpu.memory_space<vmem>> -> memref<128xi32, #tpu.memory_space<vmem>>
    %dma_wait3A_336 = arith.constant 0 : i32
    %dma_wait3A_337 = tpu.memref_slice %arg10[%dma_wait3A_336] : memref<400640xf32, #tpu.memory_space<vmem_shared>> -> memref<400640xf32, #tpu.memory_space<vmem_shared>>
    tpu.wait_indirect_dma semaphore(%arg9 : memref<!tpu.dma_semaphore, #tpu.memory_space<semaphore_mem>>) src(%dma_wait3A_332 : memref<128xf32, #tpu.memory_space<vmem>>) dst(%dma_wait3A_337 : memref<400640xf32, #tpu.memory_space<vmem_shared>>)
    %dma_wait3A_338 = arith.constant 0 : i32
    %dma_wait3A_339 = arith.constant 4 : i32
    %dma_wait3A_340 = arith.constant 0 : i32
    %dma_wait3A_341 = tpu.memref_slice %arg6[%dma_wait3A_338, %dma_wait3A_340] : memref<1x128xf32, #tpu.memory_space<vmem>> -> memref<1x128xf32, #tpu.memory_space<vmem>>
    %dma_wait3A_342 = tpu.memref_squeeze %dma_wait3A_341 : memref<1x128xf32, #tpu.memory_space<vmem>> -> memref<128xf32, #tpu.memory_space<vmem>>
    %dma_wait3A_343 = arith.constant 0 : i32
    %dma_wait3A_344 = tpu.memref_slice %arg5[%dma_wait3A_339, %dma_wait3A_343] : memref<10x128xi32, #tpu.memory_space<vmem>> -> memref<1x128xi32, #tpu.memory_space<vmem>>
    %dma_wait3A_345 = tpu.memref_squeeze %dma_wait3A_344 : memref<1x128xi32, #tpu.memory_space<vmem>> -> memref<128xi32, #tpu.memory_space<vmem>>
    %dma_wait3A_346 = arith.constant 0 : i32
    %dma_wait3A_347 = tpu.memref_slice %arg10[%dma_wait3A_346] : memref<400640xf32, #tpu.memory_space<vmem_shared>> -> memref<400640xf32, #tpu.memory_space<vmem_shared>>
    tpu.wait_indirect_dma semaphore(%arg9 : memref<!tpu.dma_semaphore, #tpu.memory_space<semaphore_mem>>) src(%dma_wait3A_342 : memref<128xf32, #tpu.memory_space<vmem>>) dst(%dma_wait3A_347 : memref<400640xf32, #tpu.memory_space<vmem_shared>>)
    %dma_wait3A_348 = arith.constant 0 : i32
    %dma_wait3A_349 = arith.constant 5 : i32
    %dma_wait3A_350 = arith.constant 0 : i32
    %dma_wait3A_351 = tpu.memref_slice %arg6[%dma_wait3A_348, %dma_wait3A_350] : memref<1x128xf32, #tpu.memory_space<vmem>> -> memref<1x128xf32, #tpu.memory_space<vmem>>
    %dma_wait3A_352 = tpu.memref_squeeze %dma_wait3A_351 : memref<1x128xf32, #tpu.memory_space<vmem>> -> memref<128xf32, #tpu.memory_space<vmem>>
    %dma_wait3A_353 = arith.constant 0 : i32
    %dma_wait3A_354 = tpu.memref_slice %arg5[%dma_wait3A_349, %dma_wait3A_353] : memref<10x128xi32, #tpu.memory_space<vmem>> -> memref<1x128xi32, #tpu.memory_space<vmem>>
    %dma_wait3A_355 = tpu.memref_squeeze %dma_wait3A_354 : memref<1x128xi32, #tpu.memory_space<vmem>> -> memref<128xi32, #tpu.memory_space<vmem>>
    %dma_wait3A_356 = arith.constant 0 : i32
    %dma_wait3A_357 = tpu.memref_slice %arg10[%dma_wait3A_356] : memref<400640xf32, #tpu.memory_space<vmem_shared>> -> memref<400640xf32, #tpu.memory_space<vmem_shared>>
    tpu.wait_indirect_dma semaphore(%arg9 : memref<!tpu.dma_semaphore, #tpu.memory_space<semaphore_mem>>) src(%dma_wait3A_352 : memref<128xf32, #tpu.memory_space<vmem>>) dst(%dma_wait3A_357 : memref<400640xf32, #tpu.memory_space<vmem_shared>>)
    %dma_wait3A_358 = arith.constant 0 : i32
    %dma_wait3A_359 = arith.constant 6 : i32
    %dma_wait3A_360 = arith.constant 0 : i32
    %dma_wait3A_361 = tpu.memref_slice %arg6[%dma_wait3A_358, %dma_wait3A_360] : memref<1x128xf32, #tpu.memory_space<vmem>> -> memref<1x128xf32, #tpu.memory_space<vmem>>
    %dma_wait3A_362 = tpu.memref_squeeze %dma_wait3A_361 : memref<1x128xf32, #tpu.memory_space<vmem>> -> memref<128xf32, #tpu.memory_space<vmem>>
    %dma_wait3A_363 = arith.constant 0 : i32
    %dma_wait3A_364 = tpu.memref_slice %arg5[%dma_wait3A_359, %dma_wait3A_363] : memref<10x128xi32, #tpu.memory_space<vmem>> -> memref<1x128xi32, #tpu.memory_space<vmem>>
    %dma_wait3A_365 = tpu.memref_squeeze %dma_wait3A_364 : memref<1x128xi32, #tpu.memory_space<vmem>> -> memref<128xi32, #tpu.memory_space<vmem>>
    %dma_wait3A_366 = arith.constant 0 : i32
    %dma_wait3A_367 = tpu.memref_slice %arg10[%dma_wait3A_366] : memref<400640xf32, #tpu.memory_space<vmem_shared>> -> memref<400640xf32, #tpu.memory_space<vmem_shared>>
    tpu.wait_indirect_dma semaphore(%arg9 : memref<!tpu.dma_semaphore, #tpu.memory_space<semaphore_mem>>) src(%dma_wait3A_362 : memref<128xf32, #tpu.memory_space<vmem>>) dst(%dma_wait3A_367 : memref<400640xf32, #tpu.memory_space<vmem_shared>>)
    %dma_wait3A_368 = arith.constant 0 : i32
    %dma_wait3A_369 = arith.constant 7 : i32
    %dma_wait3A_370 = arith.constant 0 : i32
    %dma_wait3A_371 = tpu.memref_slice %arg6[%dma_wait3A_368, %dma_wait3A_370] : memref<1x128xf32, #tpu.memory_space<vmem>> -> memref<1x128xf32, #tpu.memory_space<vmem>>
    %dma_wait3A_372 = tpu.memref_squeeze %dma_wait3A_371 : memref<1x128xf32, #tpu.memory_space<vmem>> -> memref<128xf32, #tpu.memory_space<vmem>>
    %dma_wait3A_373 = arith.constant 0 : i32
    %dma_wait3A_374 = tpu.memref_slice %arg5[%dma_wait3A_369, %dma_wait3A_373] : memref<10x128xi32, #tpu.memory_space<vmem>> -> memref<1x128xi32, #tpu.memory_space<vmem>>
    %dma_wait3A_375 = tpu.memref_squeeze %dma_wait3A_374 : memref<1x128xi32, #tpu.memory_space<vmem>> -> memref<128xi32, #tpu.memory_space<vmem>>
    %dma_wait3A_376 = arith.constant 0 : i32
    %dma_wait3A_377 = tpu.memref_slice %arg10[%dma_wait3A_376] : memref<400640xf32, #tpu.memory_space<vmem_shared>> -> memref<400640xf32, #tpu.memory_space<vmem_shared>>
    tpu.wait_indirect_dma semaphore(%arg9 : memref<!tpu.dma_semaphore, #tpu.memory_space<semaphore_mem>>) src(%dma_wait3A_372 : memref<128xf32, #tpu.memory_space<vmem>>) dst(%dma_wait3A_377 : memref<400640xf32, #tpu.memory_space<vmem_shared>>)
    %dma_wait3A_378 = arith.constant 0 : i32
    %dma_wait3A_379 = arith.constant 8 : i32
    %dma_wait3A_380 = arith.constant 0 : i32
    %dma_wait3A_381 = tpu.memref_slice %arg6[%dma_wait3A_378, %dma_wait3A_380] : memref<1x128xf32, #tpu.memory_space<vmem>> -> memref<1x128xf32, #tpu.memory_space<vmem>>
    %dma_wait3A_382 = tpu.memref_squeeze %dma_wait3A_381 : memref<1x128xf32, #tpu.memory_space<vmem>> -> memref<128xf32, #tpu.memory_space<vmem>>
    %dma_wait3A_383 = arith.constant 0 : i32
    %dma_wait3A_384 = tpu.memref_slice %arg5[%dma_wait3A_379, %dma_wait3A_383] : memref<10x128xi32, #tpu.memory_space<vmem>> -> memref<1x128xi32, #tpu.memory_space<vmem>>
    %dma_wait3A_385 = tpu.memref_squeeze %dma_wait3A_384 : memref<1x128xi32, #tpu.memory_space<vmem>> -> memref<128xi32, #tpu.memory_space<vmem>>
    %dma_wait3A_386 = arith.constant 0 : i32
    %dma_wait3A_387 = tpu.memref_slice %arg10[%dma_wait3A_386] : memref<400640xf32, #tpu.memory_space<vmem_shared>> -> memref<400640xf32, #tpu.memory_space<vmem_shared>>
    tpu.wait_indirect_dma semaphore(%arg9 : memref<!tpu.dma_semaphore, #tpu.memory_space<semaphore_mem>>) src(%dma_wait3A_382 : memref<128xf32, #tpu.memory_space<vmem>>) dst(%dma_wait3A_387 : memref<400640xf32, #tpu.memory_space<vmem_shared>>)
    %dma_wait3A_388 = arith.constant 0 : i32
    %dma_wait3A_389 = arith.constant 9 : i32
    %dma_wait3A_390 = arith.constant 0 : i32
    %dma_wait3A_391 = tpu.memref_slice %arg6[%dma_wait3A_388, %dma_wait3A_390] : memref<1x128xf32, #tpu.memory_space<vmem>> -> memref<1x128xf32, #tpu.memory_space<vmem>>
    %dma_wait3A_392 = tpu.memref_squeeze %dma_wait3A_391 : memref<1x128xf32, #tpu.memory_space<vmem>> -> memref<128xf32, #tpu.memory_space<vmem>>
    %dma_wait3A_393 = arith.constant 0 : i32
    %dma_wait3A_394 = tpu.memref_slice %arg5[%dma_wait3A_389, %dma_wait3A_393] : memref<10x128xi32, #tpu.memory_space<vmem>> -> memref<1x128xi32, #tpu.memory_space<vmem>>
    %dma_wait3A_395 = tpu.memref_squeeze %dma_wait3A_394 : memref<1x128xi32, #tpu.memory_space<vmem>> -> memref<128xi32, #tpu.memory_space<vmem>>
    %dma_wait3A_396 = arith.constant 0 : i32
    %dma_wait3A_397 = tpu.memref_slice %arg10[%dma_wait3A_396] : memref<400640xf32, #tpu.memory_space<vmem_shared>> -> memref<400640xf32, #tpu.memory_space<vmem_shared>>
    tpu.wait_indirect_dma semaphore(%arg9 : memref<!tpu.dma_semaphore, #tpu.memory_space<semaphore_mem>>) src(%dma_wait3A_392 : memref<128xf32, #tpu.memory_space<vmem>>) dst(%dma_wait3A_397 : memref<400640xf32, #tpu.memory_space<vmem_shared>>)
    %barrier3A_398 = arith.constant 0 : index
    tpu.barrier barrier_id(%barrier3A_398)
    "tpu.region"() ({
      %run_scoped3A = tpu.sem_alloc : memref<!tpu.dma_semaphore, #tpu.memory_space<semaphore_mem>>
      %dma_start3A_415 = arith.constant 0 : i32
      %dma_start3A_416 = tpu.memref_slice %arg7[%dma_start3A_415] : memref<25040xf32, #tpu.memory_space<vmem>> -> memref<12528xf32, #tpu.memory_space<vmem>>
      %dma_start3A_417 = tpu.memref_slice %arg10[%multiple_of3A_3] : memref<400640xf32, #tpu.memory_space<vmem_shared>> -> memref<12528xf32, #tpu.memory_space<vmem_shared>>
      %dma_start3A_418 = arith.constant 0 : i32
      %dma_start3A_419 = tpu.memref_slice %arg7[%dma_start3A_418] : memref<25040xf32, #tpu.memory_space<vmem>> -> memref<12528xf32, #tpu.memory_space<vmem>>
      %dma_start3A_420 = tpu.memref_slice %arg10[%multiple_of3A_3] : memref<400640xf32, #tpu.memory_space<vmem_shared>> -> memref<12528xf32, #tpu.memory_space<vmem_shared>>
      tpu.enqueue_dma source(%dma_start3A_420 : memref<12528xf32, #tpu.memory_space<vmem_shared>>) target(%dma_start3A_419 : memref<12528xf32, #tpu.memory_space<vmem>>) target_semaphore(%run_scoped3A : memref<!tpu.dma_semaphore, #tpu.memory_space<semaphore_mem>>)
      %dma_wait3A_421 = arith.constant 0 : i32
      %dma_wait3A_422 = tpu.memref_slice %arg7[%dma_wait3A_421] : memref<25040xf32, #tpu.memory_space<vmem>> -> memref<12528xf32, #tpu.memory_space<vmem>>
      %dma_wait3A_423 = tpu.memref_slice %arg10[%multiple_of3A_3] : memref<400640xf32, #tpu.memory_space<vmem_shared>> -> memref<12528xf32, #tpu.memory_space<vmem_shared>>
      %dma_wait3A_424 = arith.constant 0 : i32
      %dma_wait3A_425 = tpu.memref_slice %arg7[%dma_wait3A_424] : memref<25040xf32, #tpu.memory_space<vmem>> -> memref<12528xf32, #tpu.memory_space<vmem>>
      %dma_wait3A_426 = tpu.memref_slice %arg10[%multiple_of3A_3] : memref<400640xf32, #tpu.memory_space<vmem_shared>> -> memref<12528xf32, #tpu.memory_space<vmem_shared>>
      tpu.wait_dma2 semaphore(%run_scoped3A : memref<!tpu.dma_semaphore, #tpu.memory_space<semaphore_mem>>) src(%dma_wait3A_426 : memref<12528xf32, #tpu.memory_space<vmem_shared>>) dst(%dma_wait3A_425 : memref<12528xf32, #tpu.memory_space<vmem>>)
      tpu.yield
    }) : () -> ()
    %dma_start3A_399 = arith.constant 0 : i32
    %dma_start3A_400 = tpu.memref_slice %arg7[%dma_start3A_399] : memref<25040xf32, #tpu.memory_space<vmem>> -> memref<12528xf32, #tpu.memory_space<vmem>>
    %dma_start3A_401 = tpu.memref_slice %arg3[%multiple_of3A_3] : memref<400640xf32, #tpu.memory_space<hbm>> -> memref<12528xf32, #tpu.memory_space<hbm>>
    %dma_start3A_402 = tpu.memref_slice %arg3[%multiple_of3A_3] : memref<400640xf32, #tpu.memory_space<hbm>> -> memref<12528xf32, #tpu.memory_space<hbm>>
    %dma_start3A_403 = arith.constant 0 : i32
    %dma_start3A_404 = tpu.memref_slice %arg7[%dma_start3A_403] : memref<25040xf32, #tpu.memory_space<vmem>> -> memref<12528xf32, #tpu.memory_space<vmem>>
    tpu.enqueue_dma source(%dma_start3A_404 : memref<12528xf32, #tpu.memory_space<vmem>>) target(%dma_start3A_402 : memref<12528xf32, #tpu.memory_space<hbm>>) target_semaphore(%arg9 : memref<!tpu.dma_semaphore, #tpu.memory_space<semaphore_mem>>)
    %add3A_405 = arith.constant 12528 : i32
    %add3A_406 = arith.addi %multiple_of3A_3, %add3A_405 : i32
    "tpu.region"() ({
      %run_scoped3A = tpu.sem_alloc : memref<!tpu.dma_semaphore, #tpu.memory_space<semaphore_mem>>
      %dma_start3A_415 = arith.constant 12528 : i32
      %dma_start3A_416 = tpu.memref_slice %arg7[%dma_start3A_415] : memref<25040xf32, #tpu.memory_space<vmem>> -> memref<12512xf32, #tpu.memory_space<vmem>>
      %dma_start3A_417 = tpu.memref_slice %arg10[%add3A_406] : memref<400640xf32, #tpu.memory_space<vmem_shared>> -> memref<12512xf32, #tpu.memory_space<vmem_shared>>
      %dma_start3A_418 = arith.constant 12528 : i32
      %dma_start3A_419 = tpu.memref_slice %arg7[%dma_start3A_418] : memref<25040xf32, #tpu.memory_space<vmem>> -> memref<12512xf32, #tpu.memory_space<vmem>>
      %dma_start3A_420 = tpu.memref_slice %arg10[%add3A_406] : memref<400640xf32, #tpu.memory_space<vmem_shared>> -> memref<12512xf32, #tpu.memory_space<vmem_shared>>
      tpu.enqueue_dma source(%dma_start3A_420 : memref<12512xf32, #tpu.memory_space<vmem_shared>>) target(%dma_start3A_419 : memref<12512xf32, #tpu.memory_space<vmem>>) target_semaphore(%run_scoped3A : memref<!tpu.dma_semaphore, #tpu.memory_space<semaphore_mem>>)
      %dma_wait3A_421 = arith.constant 12528 : i32
      %dma_wait3A_422 = tpu.memref_slice %arg7[%dma_wait3A_421] : memref<25040xf32, #tpu.memory_space<vmem>> -> memref<12512xf32, #tpu.memory_space<vmem>>
      %dma_wait3A_423 = tpu.memref_slice %arg10[%add3A_406] : memref<400640xf32, #tpu.memory_space<vmem_shared>> -> memref<12512xf32, #tpu.memory_space<vmem_shared>>
      %dma_wait3A_424 = arith.constant 12528 : i32
      %dma_wait3A_425 = tpu.memref_slice %arg7[%dma_wait3A_424] : memref<25040xf32, #tpu.memory_space<vmem>> -> memref<12512xf32, #tpu.memory_space<vmem>>
      %dma_wait3A_426 = tpu.memref_slice %arg10[%add3A_406] : memref<400640xf32, #tpu.memory_space<vmem_shared>> -> memref<12512xf32, #tpu.memory_space<vmem_shared>>
      tpu.wait_dma2 semaphore(%run_scoped3A : memref<!tpu.dma_semaphore, #tpu.memory_space<semaphore_mem>>) src(%dma_wait3A_426 : memref<12512xf32, #tpu.memory_space<vmem_shared>>) dst(%dma_wait3A_425 : memref<12512xf32, #tpu.memory_space<vmem>>)
      tpu.yield
    }) : () -> ()
    %dma_wait3A_407 = arith.constant 0 : i32
    %dma_wait3A_408 = tpu.memref_slice %arg7[%dma_wait3A_407] : memref<25040xf32, #tpu.memory_space<vmem>> -> memref<12528xf32, #tpu.memory_space<vmem>>
    %dma_wait3A_409 = tpu.memref_slice %arg3[%multiple_of3A_3] : memref<400640xf32, #tpu.memory_space<hbm>> -> memref<12528xf32, #tpu.memory_space<hbm>>
    %dma_wait3A_410 = tpu.memref_slice %arg3[%multiple_of3A_3] : memref<400640xf32, #tpu.memory_space<hbm>> -> memref<12528xf32, #tpu.memory_space<hbm>>
    %dma_wait3A_411 = arith.constant 0 : i32
    %dma_wait3A_412 = tpu.memref_slice %arg7[%dma_wait3A_411] : memref<25040xf32, #tpu.memory_space<vmem>> -> memref<12528xf32, #tpu.memory_space<vmem>>
    tpu.wait_dma2 semaphore(%arg9 : memref<!tpu.dma_semaphore, #tpu.memory_space<semaphore_mem>>) src(%dma_wait3A_412 : memref<12528xf32, #tpu.memory_space<vmem>>) dst(%dma_wait3A_410 : memref<12528xf32, #tpu.memory_space<hbm>>)
    %add3A_413 = arith.constant 12528 : i32
    %add3A_414 = arith.addi %multiple_of3A_3, %add3A_413 : i32
    "tpu.region"() ({
      %run_scoped3A = tpu.sem_alloc : memref<!tpu.dma_semaphore, #tpu.memory_space<semaphore_mem>>
      %dma_start3A_415 = arith.constant 12528 : i32
      %dma_start3A_416 = tpu.memref_slice %arg7[%dma_start3A_415] : memref<25040xf32, #tpu.memory_space<vmem>> -> memref<12512xf32, #tpu.memory_space<vmem>>
      %dma_start3A_417 = tpu.memref_slice %arg3[%add3A_414] : memref<400640xf32, #tpu.memory_space<hbm>> -> memref<12512xf32, #tpu.memory_space<hbm>>
      %dma_start3A_418 = tpu.memref_slice %arg3[%add3A_414] : memref<400640xf32, #tpu.memory_space<hbm>> -> memref<12512xf32, #tpu.memory_space<hbm>>
      %dma_start3A_419 = arith.constant 12528 : i32
      %dma_start3A_420 = tpu.memref_slice %arg7[%dma_start3A_419] : memref<25040xf32, #tpu.memory_space<vmem>> -> memref<12512xf32, #tpu.memory_space<vmem>>
      tpu.enqueue_dma source(%dma_start3A_420 : memref<12512xf32, #tpu.memory_space<vmem>>) target(%dma_start3A_418 : memref<12512xf32, #tpu.memory_space<hbm>>) target_semaphore(%run_scoped3A : memref<!tpu.dma_semaphore, #tpu.memory_space<semaphore_mem>>)
      %dma_wait3A_421 = arith.constant 12528 : i32
      %dma_wait3A_422 = tpu.memref_slice %arg7[%dma_wait3A_421] : memref<25040xf32, #tpu.memory_space<vmem>> -> memref<12512xf32, #tpu.memory_space<vmem>>
      %dma_wait3A_423 = tpu.memref_slice %arg3[%add3A_414] : memref<400640xf32, #tpu.memory_space<hbm>> -> memref<12512xf32, #tpu.memory_space<hbm>>
      %dma_wait3A_424 = tpu.memref_slice %arg3[%add3A_414] : memref<400640xf32, #tpu.memory_space<hbm>> -> memref<12512xf32, #tpu.memory_space<hbm>>
      %dma_wait3A_425 = arith.constant 12528 : i32
      %dma_wait3A_426 = tpu.memref_slice %arg7[%dma_wait3A_425] : memref<25040xf32, #tpu.memory_space<vmem>> -> memref<12512xf32, #tpu.memory_space<vmem>>
      tpu.wait_dma2 semaphore(%run_scoped3A : memref<!tpu.dma_semaphore, #tpu.memory_space<semaphore_mem>>) src(%dma_wait3A_426 : memref<12512xf32, #tpu.memory_space<vmem>>) dst(%dma_wait3A_424 : memref<12512xf32, #tpu.memory_space<hbm>>)
      tpu.yield
    }) : () -> ()
    return
  }
}

module attributes {stable_mosaic.version = 14 : i64} {
  func.func @_tc_body(%arg0: memref<626x640xf32, #tpu.memory_space<vmem>>, %arg1: memref<16x625x128xf32, #tpu.memory_space<vmem>>, %arg2: memref<1x1xi32, #tpu.memory_space<vmem>>, %arg3: memref<128x64xf32, #tpu.memory_space<vmem>>, %arg4: memref<64xf32, #tpu.memory_space<vmem>>, %arg5: memref<64x64xf32, #tpu.memory_space<vmem>>, %arg6: memref<64xf32, #tpu.memory_space<vmem>>, %arg7: memref<64x64xf32, #tpu.memory_space<vmem>>, %arg8: memref<64xf32, #tpu.memory_space<vmem>>, %arg9: memref<64xf32, #tpu.memory_space<vmem>>, %arg10: memref<64xf32, #tpu.memory_space<vmem>>, %arg11: memref<64xf32, #tpu.memory_space<vmem>>, %arg12: memref<64xf32, #tpu.memory_space<vmem>>, %arg13: memref<625x1024xf32, #tpu.memory_space<vmem>>) attributes {dimension_semantics = [], scalar_prefetch = 0 : i64, scratch_operands = 0 : i64, tpu.core_type = #tpu.core_type<tc>} {
    %get3A = arith.constant 0 : index
    %get3A_0 = arith.constant 0 : index
    %get3A_1 = vector.load %arg0[%get3A, %get3A_0] : memref<626x640xf32, #tpu.memory_space<vmem>>, vector<625x640xf32>
    %reduce_sum3A = arith.constant dense<0.000000e+00> : vector<625xf32>
    %reduce_sum3A_2 = vector.multi_reduction <add>, %get3A_1, %reduce_sum3A [1] : vector<625x640xf32> to vector<625xf32>
    %broadcast_in_dim3A = vector.shape_cast %reduce_sum3A_2 : vector<625xf32> to vector<625x1xf32>
    %add3A = arith.constant 1.000000e+00 : f32
    %add3A_3 = vector.broadcast %add3A : f32 to vector<625x1xf32>
    %add3A_4 = arith.addf %broadcast_in_dim3A, %add3A_3 : vector<625x1xf32>
    %rsqrt3A = math.rsqrt %add3A_4 : vector<625x1xf32>
    %slice3A = vector.extract_strided_slice %get3A_1 {offsets = [0, 0], sizes = [625, 625], strides = [1, 1]} : vector<625x640xf32> to vector<625x625xf32>
    %get3A_5 = arith.constant 0 : index
    %get3A_6 = arith.constant 0 : index
    %get3A_7 = vector.load %arg3[%get3A_5, %get3A_6] : memref<128x64xf32, #tpu.memory_space<vmem>>, vector<128x64xf32>
    %get3A_8 = arith.constant 0 : index
    %get3A_9 = arith.constant 0 : index
    %get3A_10 = arith.constant 0 : index
    %get3A_11 = vector.load %arg1[%get3A_8, %get3A_9, %get3A_10] : memref<16x625x128xf32, #tpu.memory_space<vmem>>, vector<1x625x128xf32>
    %get3A_12 = vector.shape_cast %get3A_11 : vector<1x625x128xf32> to vector<625x128xf32>
    %dot_general3A = arith.constant dense<0.000000e+00> : vector<625x64xf32>
    %dot_general3A_13 = tpu.matmul %get3A_12, %get3A_7, %dot_general3A {dimension_numbers = #tpu.dot_dimension_numbers<[1], [0], [0], [1], [0, 0, 1, 1], [], []>, transpose_lhs_hint = false} : vector<625x128xf32>, vector<128x64xf32>, vector<625x64xf32> -> vector<625x64xf32>
    %get3A_14 = arith.constant 1 : index
    %get3A_15 = arith.constant 0 : index
    %get3A_16 = arith.constant 0 : index
    %get3A_17 = vector.load %arg1[%get3A_14, %get3A_15, %get3A_16] : memref<16x625x128xf32, #tpu.memory_space<vmem>>, vector<1x625x128xf32>
    %get3A_18 = vector.shape_cast %get3A_17 : vector<1x625x128xf32> to vector<625x128xf32>
    %dot_general3A_19 = arith.constant dense<0.000000e+00> : vector<625x64xf32>
    %dot_general3A_20 = tpu.matmul %get3A_18, %get3A_7, %dot_general3A_19 {dimension_numbers = #tpu.dot_dimension_numbers<[1], [0], [0], [1], [0, 0, 1, 1], [], []>, transpose_lhs_hint = false} : vector<625x128xf32>, vector<128x64xf32>, vector<625x64xf32> -> vector<625x64xf32>
    %get3A_21 = arith.constant 2 : index
    %get3A_22 = arith.constant 0 : index
    %get3A_23 = arith.constant 0 : index
    %get3A_24 = vector.load %arg1[%get3A_21, %get3A_22, %get3A_23] : memref<16x625x128xf32, #tpu.memory_space<vmem>>, vector<1x625x128xf32>
    %get3A_25 = vector.shape_cast %get3A_24 : vector<1x625x128xf32> to vector<625x128xf32>
    %dot_general3A_26 = arith.constant dense<0.000000e+00> : vector<625x64xf32>
    %dot_general3A_27 = tpu.matmul %get3A_25, %get3A_7, %dot_general3A_26 {dimension_numbers = #tpu.dot_dimension_numbers<[1], [0], [0], [1], [0, 0, 1, 1], [], []>, transpose_lhs_hint = false} : vector<625x128xf32>, vector<128x64xf32>, vector<625x64xf32> -> vector<625x64xf32>
    %get3A_28 = arith.constant 3 : index
    %get3A_29 = arith.constant 0 : index
    %get3A_30 = arith.constant 0 : index
    %get3A_31 = vector.load %arg1[%get3A_28, %get3A_29, %get3A_30] : memref<16x625x128xf32, #tpu.memory_space<vmem>>, vector<1x625x128xf32>
    %get3A_32 = vector.shape_cast %get3A_31 : vector<1x625x128xf32> to vector<625x128xf32>
    %dot_general3A_33 = arith.constant dense<0.000000e+00> : vector<625x64xf32>
    %dot_general3A_34 = tpu.matmul %get3A_32, %get3A_7, %dot_general3A_33 {dimension_numbers = #tpu.dot_dimension_numbers<[1], [0], [0], [1], [0, 0, 1, 1], [], []>, transpose_lhs_hint = false} : vector<625x128xf32>, vector<128x64xf32>, vector<625x64xf32> -> vector<625x64xf32>
    %get3A_35 = arith.constant 4 : index
    %get3A_36 = arith.constant 0 : index
    %get3A_37 = arith.constant 0 : index
    %get3A_38 = vector.load %arg1[%get3A_35, %get3A_36, %get3A_37] : memref<16x625x128xf32, #tpu.memory_space<vmem>>, vector<1x625x128xf32>
    %get3A_39 = vector.shape_cast %get3A_38 : vector<1x625x128xf32> to vector<625x128xf32>
    %dot_general3A_40 = arith.constant dense<0.000000e+00> : vector<625x64xf32>
    %dot_general3A_41 = tpu.matmul %get3A_39, %get3A_7, %dot_general3A_40 {dimension_numbers = #tpu.dot_dimension_numbers<[1], [0], [0], [1], [0, 0, 1, 1], [], []>, transpose_lhs_hint = false} : vector<625x128xf32>, vector<128x64xf32>, vector<625x64xf32> -> vector<625x64xf32>
    %get3A_42 = arith.constant 5 : index
    %get3A_43 = arith.constant 0 : index
    %get3A_44 = arith.constant 0 : index
    %get3A_45 = vector.load %arg1[%get3A_42, %get3A_43, %get3A_44] : memref<16x625x128xf32, #tpu.memory_space<vmem>>, vector<1x625x128xf32>
    %get3A_46 = vector.shape_cast %get3A_45 : vector<1x625x128xf32> to vector<625x128xf32>
    %dot_general3A_47 = arith.constant dense<0.000000e+00> : vector<625x64xf32>
    %dot_general3A_48 = tpu.matmul %get3A_46, %get3A_7, %dot_general3A_47 {dimension_numbers = #tpu.dot_dimension_numbers<[1], [0], [0], [1], [0, 0, 1, 1], [], []>, transpose_lhs_hint = false} : vector<625x128xf32>, vector<128x64xf32>, vector<625x64xf32> -> vector<625x64xf32>
    %get3A_49 = arith.constant 6 : index
    %get3A_50 = arith.constant 0 : index
    %get3A_51 = arith.constant 0 : index
    %get3A_52 = vector.load %arg1[%get3A_49, %get3A_50, %get3A_51] : memref<16x625x128xf32, #tpu.memory_space<vmem>>, vector<1x625x128xf32>
    %get3A_53 = vector.shape_cast %get3A_52 : vector<1x625x128xf32> to vector<625x128xf32>
    %dot_general3A_54 = arith.constant dense<0.000000e+00> : vector<625x64xf32>
    %dot_general3A_55 = tpu.matmul %get3A_53, %get3A_7, %dot_general3A_54 {dimension_numbers = #tpu.dot_dimension_numbers<[1], [0], [0], [1], [0, 0, 1, 1], [], []>, transpose_lhs_hint = false} : vector<625x128xf32>, vector<128x64xf32>, vector<625x64xf32> -> vector<625x64xf32>
    %get3A_56 = arith.constant 7 : index
    %get3A_57 = arith.constant 0 : index
    %get3A_58 = arith.constant 0 : index
    %get3A_59 = vector.load %arg1[%get3A_56, %get3A_57, %get3A_58] : memref<16x625x128xf32, #tpu.memory_space<vmem>>, vector<1x625x128xf32>
    %get3A_60 = vector.shape_cast %get3A_59 : vector<1x625x128xf32> to vector<625x128xf32>
    %dot_general3A_61 = arith.constant dense<0.000000e+00> : vector<625x64xf32>
    %dot_general3A_62 = tpu.matmul %get3A_60, %get3A_7, %dot_general3A_61 {dimension_numbers = #tpu.dot_dimension_numbers<[1], [0], [0], [1], [0, 0, 1, 1], [], []>, transpose_lhs_hint = false} : vector<625x128xf32>, vector<128x64xf32>, vector<625x64xf32> -> vector<625x64xf32>
    %get3A_63 = arith.constant 8 : index
    %get3A_64 = arith.constant 0 : index
    %get3A_65 = arith.constant 0 : index
    %get3A_66 = vector.load %arg1[%get3A_63, %get3A_64, %get3A_65] : memref<16x625x128xf32, #tpu.memory_space<vmem>>, vector<1x625x128xf32>
    %get3A_67 = vector.shape_cast %get3A_66 : vector<1x625x128xf32> to vector<625x128xf32>
    %dot_general3A_68 = arith.constant dense<0.000000e+00> : vector<625x64xf32>
    %dot_general3A_69 = tpu.matmul %get3A_67, %get3A_7, %dot_general3A_68 {dimension_numbers = #tpu.dot_dimension_numbers<[1], [0], [0], [1], [0, 0, 1, 1], [], []>, transpose_lhs_hint = false} : vector<625x128xf32>, vector<128x64xf32>, vector<625x64xf32> -> vector<625x64xf32>
    %get3A_70 = arith.constant 9 : index
    %get3A_71 = arith.constant 0 : index
    %get3A_72 = arith.constant 0 : index
    %get3A_73 = vector.load %arg1[%get3A_70, %get3A_71, %get3A_72] : memref<16x625x128xf32, #tpu.memory_space<vmem>>, vector<1x625x128xf32>
    %get3A_74 = vector.shape_cast %get3A_73 : vector<1x625x128xf32> to vector<625x128xf32>
    %dot_general3A_75 = arith.constant dense<0.000000e+00> : vector<625x64xf32>
    %dot_general3A_76 = tpu.matmul %get3A_74, %get3A_7, %dot_general3A_75 {dimension_numbers = #tpu.dot_dimension_numbers<[1], [0], [0], [1], [0, 0, 1, 1], [], []>, transpose_lhs_hint = false} : vector<625x128xf32>, vector<128x64xf32>, vector<625x64xf32> -> vector<625x64xf32>
    %get3A_77 = arith.constant 10 : index
    %get3A_78 = arith.constant 0 : index
    %get3A_79 = arith.constant 0 : index
    %get3A_80 = vector.load %arg1[%get3A_77, %get3A_78, %get3A_79] : memref<16x625x128xf32, #tpu.memory_space<vmem>>, vector<1x625x128xf32>
    %get3A_81 = vector.shape_cast %get3A_80 : vector<1x625x128xf32> to vector<625x128xf32>
    %dot_general3A_82 = arith.constant dense<0.000000e+00> : vector<625x64xf32>
    %dot_general3A_83 = tpu.matmul %get3A_81, %get3A_7, %dot_general3A_82 {dimension_numbers = #tpu.dot_dimension_numbers<[1], [0], [0], [1], [0, 0, 1, 1], [], []>, transpose_lhs_hint = false} : vector<625x128xf32>, vector<128x64xf32>, vector<625x64xf32> -> vector<625x64xf32>
    %get3A_84 = arith.constant 11 : index
    %get3A_85 = arith.constant 0 : index
    %get3A_86 = arith.constant 0 : index
    %get3A_87 = vector.load %arg1[%get3A_84, %get3A_85, %get3A_86] : memref<16x625x128xf32, #tpu.memory_space<vmem>>, vector<1x625x128xf32>
    %get3A_88 = vector.shape_cast %get3A_87 : vector<1x625x128xf32> to vector<625x128xf32>
    %dot_general3A_89 = arith.constant dense<0.000000e+00> : vector<625x64xf32>
    %dot_general3A_90 = tpu.matmul %get3A_88, %get3A_7, %dot_general3A_89 {dimension_numbers = #tpu.dot_dimension_numbers<[1], [0], [0], [1], [0, 0, 1, 1], [], []>, transpose_lhs_hint = false} : vector<625x128xf32>, vector<128x64xf32>, vector<625x64xf32> -> vector<625x64xf32>
    %get3A_91 = arith.constant 12 : index
    %get3A_92 = arith.constant 0 : index
    %get3A_93 = arith.constant 0 : index
    %get3A_94 = vector.load %arg1[%get3A_91, %get3A_92, %get3A_93] : memref<16x625x128xf32, #tpu.memory_space<vmem>>, vector<1x625x128xf32>
    %get3A_95 = vector.shape_cast %get3A_94 : vector<1x625x128xf32> to vector<625x128xf32>
    %dot_general3A_96 = arith.constant dense<0.000000e+00> : vector<625x64xf32>
    %dot_general3A_97 = tpu.matmul %get3A_95, %get3A_7, %dot_general3A_96 {dimension_numbers = #tpu.dot_dimension_numbers<[1], [0], [0], [1], [0, 0, 1, 1], [], []>, transpose_lhs_hint = false} : vector<625x128xf32>, vector<128x64xf32>, vector<625x64xf32> -> vector<625x64xf32>
    %get3A_98 = arith.constant 13 : index
    %get3A_99 = arith.constant 0 : index
    %get3A_100 = arith.constant 0 : index
    %get3A_101 = vector.load %arg1[%get3A_98, %get3A_99, %get3A_100] : memref<16x625x128xf32, #tpu.memory_space<vmem>>, vector<1x625x128xf32>
    %get3A_102 = vector.shape_cast %get3A_101 : vector<1x625x128xf32> to vector<625x128xf32>
    %dot_general3A_103 = arith.constant dense<0.000000e+00> : vector<625x64xf32>
    %dot_general3A_104 = tpu.matmul %get3A_102, %get3A_7, %dot_general3A_103 {dimension_numbers = #tpu.dot_dimension_numbers<[1], [0], [0], [1], [0, 0, 1, 1], [], []>, transpose_lhs_hint = false} : vector<625x128xf32>, vector<128x64xf32>, vector<625x64xf32> -> vector<625x64xf32>
    %get3A_105 = arith.constant 14 : index
    %get3A_106 = arith.constant 0 : index
    %get3A_107 = arith.constant 0 : index
    %get3A_108 = vector.load %arg1[%get3A_105, %get3A_106, %get3A_107] : memref<16x625x128xf32, #tpu.memory_space<vmem>>, vector<1x625x128xf32>
    %get3A_109 = vector.shape_cast %get3A_108 : vector<1x625x128xf32> to vector<625x128xf32>
    %dot_general3A_110 = arith.constant dense<0.000000e+00> : vector<625x64xf32>
    %dot_general3A_111 = tpu.matmul %get3A_109, %get3A_7, %dot_general3A_110 {dimension_numbers = #tpu.dot_dimension_numbers<[1], [0], [0], [1], [0, 0, 1, 1], [], []>, transpose_lhs_hint = false} : vector<625x128xf32>, vector<128x64xf32>, vector<625x64xf32> -> vector<625x64xf32>
    %get3A_112 = arith.constant 15 : index
    %get3A_113 = arith.constant 0 : index
    %get3A_114 = arith.constant 0 : index
    %get3A_115 = vector.load %arg1[%get3A_112, %get3A_113, %get3A_114] : memref<16x625x128xf32, #tpu.memory_space<vmem>>, vector<1x625x128xf32>
    %get3A_116 = vector.shape_cast %get3A_115 : vector<1x625x128xf32> to vector<625x128xf32>
    %dot_general3A_117 = arith.constant dense<0.000000e+00> : vector<625x64xf32>
    %dot_general3A_118 = tpu.matmul %get3A_116, %get3A_7, %dot_general3A_117 {dimension_numbers = #tpu.dot_dimension_numbers<[1], [0], [0], [1], [0, 0, 1, 1], [], []>, transpose_lhs_hint = false} : vector<625x128xf32>, vector<128x64xf32>, vector<625x64xf32> -> vector<625x64xf32>
    %concatenate3A = tpu.concatenate %dot_general3A_13, %dot_general3A_20, %dot_general3A_27, %dot_general3A_34, %dot_general3A_41, %dot_general3A_48, %dot_general3A_55, %dot_general3A_62, %dot_general3A_69, %dot_general3A_76, %dot_general3A_83, %dot_general3A_90, %dot_general3A_97, %dot_general3A_104, %dot_general3A_111, %dot_general3A_118 in 1 : vector<625x64xf32>, vector<625x64xf32>, vector<625x64xf32>, vector<625x64xf32>, vector<625x64xf32>, vector<625x64xf32>, vector<625x64xf32>, vector<625x64xf32>, vector<625x64xf32>, vector<625x64xf32>, vector<625x64xf32>, vector<625x64xf32>, vector<625x64xf32>, vector<625x64xf32>, vector<625x64xf32>, vector<625x64xf32> -> vector<625x1024xf32>
    %mul3A = vector.broadcast %rsqrt3A : vector<625x1xf32> to vector<625x1024xf32>
    %mul3A_119 = arith.mulf %concatenate3A, %mul3A : vector<625x1024xf32>
    %convert_element_type3A = arith.truncf %slice3A : vector<625x625xf32> to vector<625x625xbf16>
    %convert_element_type3A_120 = arith.truncf %mul3A_119 : vector<625x1024xf32> to vector<625x1024xbf16>
    %dot_general3A_121 = arith.constant dense<0.000000e+00> : vector<625x1024xf32>
    %dot_general3A_122 = tpu.matmul %convert_element_type3A, %convert_element_type3A_120, %dot_general3A_121 {dimension_numbers = #tpu.dot_dimension_numbers<[1], [0], [0], [1], [0, 0, 1, 1], [], []>, transpose_lhs_hint = false} : vector<625x625xbf16>, vector<625x1024xbf16>, vector<625x1024xf32> -> vector<625x1024xf32>
    %add3A_123 = arith.addf %dot_general3A_122, %mul3A_119 : vector<625x1024xf32>
    %mul3A_124 = vector.broadcast %rsqrt3A : vector<625x1xf32> to vector<625x1024xf32>
    %mul3A_125 = arith.mulf %add3A_123, %mul3A_124 : vector<625x1024xf32>
    %get3A_126 = arith.constant 0 : index
    %get3A_127 = vector.load %arg4[%get3A_126] : memref<64xf32, #tpu.memory_space<vmem>>, vector<64xf32>
    %broadcast_in_dim3A_128 = vector.shape_cast %get3A_127 : vector<64xf32> to vector<1x64xf32>
    %concatenate3A_129 = tpu.concatenate %broadcast_in_dim3A_128, %broadcast_in_dim3A_128, %broadcast_in_dim3A_128, %broadcast_in_dim3A_128, %broadcast_in_dim3A_128, %broadcast_in_dim3A_128, %broadcast_in_dim3A_128, %broadcast_in_dim3A_128, %broadcast_in_dim3A_128, %broadcast_in_dim3A_128, %broadcast_in_dim3A_128, %broadcast_in_dim3A_128, %broadcast_in_dim3A_128, %broadcast_in_dim3A_128, %broadcast_in_dim3A_128, %broadcast_in_dim3A_128 in 1 : vector<1x64xf32>, vector<1x64xf32>, vector<1x64xf32>, vector<1x64xf32>, vector<1x64xf32>, vector<1x64xf32>, vector<1x64xf32>, vector<1x64xf32>, vector<1x64xf32>, vector<1x64xf32>, vector<1x64xf32>, vector<1x64xf32>, vector<1x64xf32>, vector<1x64xf32>, vector<1x64xf32>, vector<1x64xf32> -> vector<1x1024xf32>
    %add3A_130 = vector.broadcast %concatenate3A_129 : vector<1x1024xf32> to vector<625x1024xf32>
    %add3A_131 = arith.addf %mul3A_125, %add3A_130 : vector<625x1024xf32>
    %max3A = arith.constant 0.000000e+00 : f32
    %max3A_132 = vector.broadcast %max3A : f32 to vector<625x1024xf32>
    %max3A_133 = arith.maximumf %add3A_131, %max3A_132 : vector<625x1024xf32>
    %get3A_134 = arith.constant 0 : index
    %get3A_135 = vector.load %arg9[%get3A_134] : memref<64xf32, #tpu.memory_space<vmem>>, vector<64xf32>
    %get3A_136 = arith.constant 0 : index
    %get3A_137 = vector.load %arg10[%get3A_136] : memref<64xf32, #tpu.memory_space<vmem>>, vector<64xf32>
    %reduce_sum3A_138 = arith.constant dense<0.000000e+00> : vector<1024xf32>
    %reduce_sum3A_139 = vector.multi_reduction <add>, %max3A_133, %reduce_sum3A_138 [0] : vector<625x1024xf32> to vector<1024xf32>
    %broadcast_in_dim3A_140 = vector.shape_cast %reduce_sum3A_139 : vector<1024xf32> to vector<1x1024xf32>
    %mul3A_141 = arith.mulf %max3A_133, %max3A_133 : vector<625x1024xf32>
    %reduce_sum3A_142 = arith.constant dense<0.000000e+00> : vector<1024xf32>
    %reduce_sum3A_143 = vector.multi_reduction <add>, %mul3A_141, %reduce_sum3A_142 [0] : vector<625x1024xf32> to vector<1024xf32>
    %broadcast_in_dim3A_144 = vector.shape_cast %reduce_sum3A_143 : vector<1024xf32> to vector<1x1024xf32>
    %slice3A_145 = vector.extract_strided_slice %broadcast_in_dim3A_140 {offsets = [0, 0], sizes = [1, 64], strides = [1, 1]} : vector<1x1024xf32> to vector<1x64xf32>
    %slice3A_146 = vector.extract_strided_slice %broadcast_in_dim3A_140 {offsets = [0, 64], sizes = [1, 64], strides = [1, 1]} : vector<1x1024xf32> to vector<1x64xf32>
    %add3A_147 = arith.addf %slice3A_145, %slice3A_146 : vector<1x64xf32>
    %slice3A_148 = vector.extract_strided_slice %broadcast_in_dim3A_140 {offsets = [0, 128], sizes = [1, 64], strides = [1, 1]} : vector<1x1024xf32> to vector<1x64xf32>
    %add3A_149 = arith.addf %add3A_147, %slice3A_148 : vector<1x64xf32>
    %slice3A_150 = vector.extract_strided_slice %broadcast_in_dim3A_140 {offsets = [0, 192], sizes = [1, 64], strides = [1, 1]} : vector<1x1024xf32> to vector<1x64xf32>
    %add3A_151 = arith.addf %add3A_149, %slice3A_150 : vector<1x64xf32>
    %slice3A_152 = vector.extract_strided_slice %broadcast_in_dim3A_140 {offsets = [0, 256], sizes = [1, 64], strides = [1, 1]} : vector<1x1024xf32> to vector<1x64xf32>
    %add3A_153 = arith.addf %add3A_151, %slice3A_152 : vector<1x64xf32>
    %slice3A_154 = vector.extract_strided_slice %broadcast_in_dim3A_140 {offsets = [0, 320], sizes = [1, 64], strides = [1, 1]} : vector<1x1024xf32> to vector<1x64xf32>
    %add3A_155 = arith.addf %add3A_153, %slice3A_154 : vector<1x64xf32>
    %slice3A_156 = vector.extract_strided_slice %broadcast_in_dim3A_140 {offsets = [0, 384], sizes = [1, 64], strides = [1, 1]} : vector<1x1024xf32> to vector<1x64xf32>
    %add3A_157 = arith.addf %add3A_155, %slice3A_156 : vector<1x64xf32>
    %slice3A_158 = vector.extract_strided_slice %broadcast_in_dim3A_140 {offsets = [0, 448], sizes = [1, 64], strides = [1, 1]} : vector<1x1024xf32> to vector<1x64xf32>
    %add3A_159 = arith.addf %add3A_157, %slice3A_158 : vector<1x64xf32>
    %slice3A_160 = vector.extract_strided_slice %broadcast_in_dim3A_140 {offsets = [0, 512], sizes = [1, 64], strides = [1, 1]} : vector<1x1024xf32> to vector<1x64xf32>
    %add3A_161 = arith.addf %add3A_159, %slice3A_160 : vector<1x64xf32>
    %slice3A_162 = vector.extract_strided_slice %broadcast_in_dim3A_140 {offsets = [0, 576], sizes = [1, 64], strides = [1, 1]} : vector<1x1024xf32> to vector<1x64xf32>
    %add3A_163 = arith.addf %add3A_161, %slice3A_162 : vector<1x64xf32>
    %slice3A_164 = vector.extract_strided_slice %broadcast_in_dim3A_140 {offsets = [0, 640], sizes = [1, 64], strides = [1, 1]} : vector<1x1024xf32> to vector<1x64xf32>
    %add3A_165 = arith.addf %add3A_163, %slice3A_164 : vector<1x64xf32>
    %slice3A_166 = vector.extract_strided_slice %broadcast_in_dim3A_140 {offsets = [0, 704], sizes = [1, 64], strides = [1, 1]} : vector<1x1024xf32> to vector<1x64xf32>
    %add3A_167 = arith.addf %add3A_165, %slice3A_166 : vector<1x64xf32>
    %slice3A_168 = vector.extract_strided_slice %broadcast_in_dim3A_140 {offsets = [0, 768], sizes = [1, 64], strides = [1, 1]} : vector<1x1024xf32> to vector<1x64xf32>
    %add3A_169 = arith.addf %add3A_167, %slice3A_168 : vector<1x64xf32>
    %slice3A_170 = vector.extract_strided_slice %broadcast_in_dim3A_140 {offsets = [0, 832], sizes = [1, 64], strides = [1, 1]} : vector<1x1024xf32> to vector<1x64xf32>
    %add3A_171 = arith.addf %add3A_169, %slice3A_170 : vector<1x64xf32>
    %slice3A_172 = vector.extract_strided_slice %broadcast_in_dim3A_140 {offsets = [0, 896], sizes = [1, 64], strides = [1, 1]} : vector<1x1024xf32> to vector<1x64xf32>
    %add3A_173 = arith.addf %add3A_171, %slice3A_172 : vector<1x64xf32>
    %slice3A_174 = vector.extract_strided_slice %broadcast_in_dim3A_140 {offsets = [0, 960], sizes = [1, 64], strides = [1, 1]} : vector<1x1024xf32> to vector<1x64xf32>
    %add3A_175 = arith.addf %add3A_173, %slice3A_174 : vector<1x64xf32>
    %div3A = arith.constant 1.000000e+04 : f32
    %div3A_176 = vector.broadcast %div3A : f32 to vector<1x64xf32>
    %div3A_177 = arith.divf %add3A_175, %div3A_176 : vector<1x64xf32>
    %slice3A_178 = vector.extract_strided_slice %broadcast_in_dim3A_144 {offsets = [0, 0], sizes = [1, 64], strides = [1, 1]} : vector<1x1024xf32> to vector<1x64xf32>
    %slice3A_179 = vector.extract_strided_slice %broadcast_in_dim3A_144 {offsets = [0, 64], sizes = [1, 64], strides = [1, 1]} : vector<1x1024xf32> to vector<1x64xf32>
    %add3A_180 = arith.addf %slice3A_178, %slice3A_179 : vector<1x64xf32>
    %slice3A_181 = vector.extract_strided_slice %broadcast_in_dim3A_144 {offsets = [0, 128], sizes = [1, 64], strides = [1, 1]} : vector<1x1024xf32> to vector<1x64xf32>
    %add3A_182 = arith.addf %add3A_180, %slice3A_181 : vector<1x64xf32>
    %slice3A_183 = vector.extract_strided_slice %broadcast_in_dim3A_144 {offsets = [0, 192], sizes = [1, 64], strides = [1, 1]} : vector<1x1024xf32> to vector<1x64xf32>
    %add3A_184 = arith.addf %add3A_182, %slice3A_183 : vector<1x64xf32>
    %slice3A_185 = vector.extract_strided_slice %broadcast_in_dim3A_144 {offsets = [0, 256], sizes = [1, 64], strides = [1, 1]} : vector<1x1024xf32> to vector<1x64xf32>
    %add3A_186 = arith.addf %add3A_184, %slice3A_185 : vector<1x64xf32>
    %slice3A_187 = vector.extract_strided_slice %broadcast_in_dim3A_144 {offsets = [0, 320], sizes = [1, 64], strides = [1, 1]} : vector<1x1024xf32> to vector<1x64xf32>
    %add3A_188 = arith.addf %add3A_186, %slice3A_187 : vector<1x64xf32>
    %slice3A_189 = vector.extract_strided_slice %broadcast_in_dim3A_144 {offsets = [0, 384], sizes = [1, 64], strides = [1, 1]} : vector<1x1024xf32> to vector<1x64xf32>
    %add3A_190 = arith.addf %add3A_188, %slice3A_189 : vector<1x64xf32>
    %slice3A_191 = vector.extract_strided_slice %broadcast_in_dim3A_144 {offsets = [0, 448], sizes = [1, 64], strides = [1, 1]} : vector<1x1024xf32> to vector<1x64xf32>
    %add3A_192 = arith.addf %add3A_190, %slice3A_191 : vector<1x64xf32>
    %slice3A_193 = vector.extract_strided_slice %broadcast_in_dim3A_144 {offsets = [0, 512], sizes = [1, 64], strides = [1, 1]} : vector<1x1024xf32> to vector<1x64xf32>
    %add3A_194 = arith.addf %add3A_192, %slice3A_193 : vector<1x64xf32>
    %slice3A_195 = vector.extract_strided_slice %broadcast_in_dim3A_144 {offsets = [0, 576], sizes = [1, 64], strides = [1, 1]} : vector<1x1024xf32> to vector<1x64xf32>
    %add3A_196 = arith.addf %add3A_194, %slice3A_195 : vector<1x64xf32>
    %slice3A_197 = vector.extract_strided_slice %broadcast_in_dim3A_144 {offsets = [0, 640], sizes = [1, 64], strides = [1, 1]} : vector<1x1024xf32> to vector<1x64xf32>
    %add3A_198 = arith.addf %add3A_196, %slice3A_197 : vector<1x64xf32>
    %slice3A_199 = vector.extract_strided_slice %broadcast_in_dim3A_144 {offsets = [0, 704], sizes = [1, 64], strides = [1, 1]} : vector<1x1024xf32> to vector<1x64xf32>
    %add3A_200 = arith.addf %add3A_198, %slice3A_199 : vector<1x64xf32>
    %slice3A_201 = vector.extract_strided_slice %broadcast_in_dim3A_144 {offsets = [0, 768], sizes = [1, 64], strides = [1, 1]} : vector<1x1024xf32> to vector<1x64xf32>
    %add3A_202 = arith.addf %add3A_200, %slice3A_201 : vector<1x64xf32>
    %slice3A_203 = vector.extract_strided_slice %broadcast_in_dim3A_144 {offsets = [0, 832], sizes = [1, 64], strides = [1, 1]} : vector<1x1024xf32> to vector<1x64xf32>
    %add3A_204 = arith.addf %add3A_202, %slice3A_203 : vector<1x64xf32>
    %slice3A_205 = vector.extract_strided_slice %broadcast_in_dim3A_144 {offsets = [0, 896], sizes = [1, 64], strides = [1, 1]} : vector<1x1024xf32> to vector<1x64xf32>
    %add3A_206 = arith.addf %add3A_204, %slice3A_205 : vector<1x64xf32>
    %slice3A_207 = vector.extract_strided_slice %broadcast_in_dim3A_144 {offsets = [0, 960], sizes = [1, 64], strides = [1, 1]} : vector<1x1024xf32> to vector<1x64xf32>
    %add3A_208 = arith.addf %add3A_206, %slice3A_207 : vector<1x64xf32>
    %div3A_209 = arith.constant 1.000000e+04 : f32
    %div3A_210 = vector.broadcast %div3A_209 : f32 to vector<1x64xf32>
    %div3A_211 = arith.divf %add3A_208, %div3A_210 : vector<1x64xf32>
    %mul3A_212 = arith.mulf %div3A_177, %div3A_177 : vector<1x64xf32>
    %sub3A = arith.subf %div3A_211, %mul3A_212 : vector<1x64xf32>
    %add3A_213 = arith.constant 9.99999974E-6 : f32
    %add3A_214 = vector.broadcast %add3A_213 : f32 to vector<1x64xf32>
    %add3A_215 = arith.addf %sub3A, %add3A_214 : vector<1x64xf32>
    %rsqrt3A_216 = math.rsqrt %add3A_215 : vector<1x64xf32>
    %broadcast_in_dim3A_217 = vector.shape_cast %get3A_135 : vector<64xf32> to vector<1x64xf32>
    %mul3A_218 = arith.mulf %rsqrt3A_216, %broadcast_in_dim3A_217 : vector<1x64xf32>
    %broadcast_in_dim3A_219 = vector.shape_cast %get3A_137 : vector<64xf32> to vector<1x64xf32>
    %mul3A_220 = arith.mulf %div3A_177, %mul3A_218 : vector<1x64xf32>
    %sub3A_221 = arith.subf %broadcast_in_dim3A_219, %mul3A_220 : vector<1x64xf32>
    %concatenate3A_222 = tpu.concatenate %mul3A_218, %mul3A_218, %mul3A_218, %mul3A_218, %mul3A_218, %mul3A_218, %mul3A_218, %mul3A_218, %mul3A_218, %mul3A_218, %mul3A_218, %mul3A_218, %mul3A_218, %mul3A_218, %mul3A_218, %mul3A_218 in 1 : vector<1x64xf32>, vector<1x64xf32>, vector<1x64xf32>, vector<1x64xf32>, vector<1x64xf32>, vector<1x64xf32>, vector<1x64xf32>, vector<1x64xf32>, vector<1x64xf32>, vector<1x64xf32>, vector<1x64xf32>, vector<1x64xf32>, vector<1x64xf32>, vector<1x64xf32>, vector<1x64xf32>, vector<1x64xf32> -> vector<1x1024xf32>
    %mul3A_223 = vector.broadcast %concatenate3A_222 : vector<1x1024xf32> to vector<625x1024xf32>
    %mul3A_224 = arith.mulf %max3A_133, %mul3A_223 : vector<625x1024xf32>
    %concatenate3A_225 = tpu.concatenate %sub3A_221, %sub3A_221, %sub3A_221, %sub3A_221, %sub3A_221, %sub3A_221, %sub3A_221, %sub3A_221, %sub3A_221, %sub3A_221, %sub3A_221, %sub3A_221, %sub3A_221, %sub3A_221, %sub3A_221, %sub3A_221 in 1 : vector<1x64xf32>, vector<1x64xf32>, vector<1x64xf32>, vector<1x64xf32>, vector<1x64xf32>, vector<1x64xf32>, vector<1x64xf32>, vector<1x64xf32>, vector<1x64xf32>, vector<1x64xf32>, vector<1x64xf32>, vector<1x64xf32>, vector<1x64xf32>, vector<1x64xf32>, vector<1x64xf32>, vector<1x64xf32> -> vector<1x1024xf32>
    %add3A_226 = vector.broadcast %concatenate3A_225 : vector<1x1024xf32> to vector<625x1024xf32>
    %add3A_227 = arith.addf %mul3A_224, %add3A_226 : vector<625x1024xf32>
    %get3A_228 = arith.constant 0 : index
    %get3A_229 = arith.constant 0 : index
    %get3A_230 = vector.load %arg5[%get3A_228, %get3A_229] : memref<64x64xf32, #tpu.memory_space<vmem>>, vector<64x64xf32>
    %slice3A_231 = vector.extract_strided_slice %add3A_227 {offsets = [0, 0], sizes = [625, 64], strides = [1, 1]} : vector<625x1024xf32> to vector<625x64xf32>
    %dot_general3A_232 = arith.constant dense<0.000000e+00> : vector<625x64xf32>
    %dot_general3A_233 = tpu.matmul %slice3A_231, %get3A_230, %dot_general3A_232 {dimension_numbers = #tpu.dot_dimension_numbers<[1], [0], [0], [1], [0, 0, 1, 1], [], []>, transpose_lhs_hint = false} : vector<625x64xf32>, vector<64x64xf32>, vector<625x64xf32> -> vector<625x64xf32>
    %slice3A_234 = vector.extract_strided_slice %add3A_227 {offsets = [0, 64], sizes = [625, 64], strides = [1, 1]} : vector<625x1024xf32> to vector<625x64xf32>
    %dot_general3A_235 = arith.constant dense<0.000000e+00> : vector<625x64xf32>
    %dot_general3A_236 = tpu.matmul %slice3A_234, %get3A_230, %dot_general3A_235 {dimension_numbers = #tpu.dot_dimension_numbers<[1], [0], [0], [1], [0, 0, 1, 1], [], []>, transpose_lhs_hint = false} : vector<625x64xf32>, vector<64x64xf32>, vector<625x64xf32> -> vector<625x64xf32>
    %slice3A_237 = vector.extract_strided_slice %add3A_227 {offsets = [0, 128], sizes = [625, 64], strides = [1, 1]} : vector<625x1024xf32> to vector<625x64xf32>
    %dot_general3A_238 = arith.constant dense<0.000000e+00> : vector<625x64xf32>
    %dot_general3A_239 = tpu.matmul %slice3A_237, %get3A_230, %dot_general3A_238 {dimension_numbers = #tpu.dot_dimension_numbers<[1], [0], [0], [1], [0, 0, 1, 1], [], []>, transpose_lhs_hint = false} : vector<625x64xf32>, vector<64x64xf32>, vector<625x64xf32> -> vector<625x64xf32>
    %slice3A_240 = vector.extract_strided_slice %add3A_227 {offsets = [0, 192], sizes = [625, 64], strides = [1, 1]} : vector<625x1024xf32> to vector<625x64xf32>
    %dot_general3A_241 = arith.constant dense<0.000000e+00> : vector<625x64xf32>
    %dot_general3A_242 = tpu.matmul %slice3A_240, %get3A_230, %dot_general3A_241 {dimension_numbers = #tpu.dot_dimension_numbers<[1], [0], [0], [1], [0, 0, 1, 1], [], []>, transpose_lhs_hint = false} : vector<625x64xf32>, vector<64x64xf32>, vector<625x64xf32> -> vector<625x64xf32>
    %slice3A_243 = vector.extract_strided_slice %add3A_227 {offsets = [0, 256], sizes = [625, 64], strides = [1, 1]} : vector<625x1024xf32> to vector<625x64xf32>
    %dot_general3A_244 = arith.constant dense<0.000000e+00> : vector<625x64xf32>
    %dot_general3A_245 = tpu.matmul %slice3A_243, %get3A_230, %dot_general3A_244 {dimension_numbers = #tpu.dot_dimension_numbers<[1], [0], [0], [1], [0, 0, 1, 1], [], []>, transpose_lhs_hint = false} : vector<625x64xf32>, vector<64x64xf32>, vector<625x64xf32> -> vector<625x64xf32>
    %slice3A_246 = vector.extract_strided_slice %add3A_227 {offsets = [0, 320], sizes = [625, 64], strides = [1, 1]} : vector<625x1024xf32> to vector<625x64xf32>
    %dot_general3A_247 = arith.constant dense<0.000000e+00> : vector<625x64xf32>
    %dot_general3A_248 = tpu.matmul %slice3A_246, %get3A_230, %dot_general3A_247 {dimension_numbers = #tpu.dot_dimension_numbers<[1], [0], [0], [1], [0, 0, 1, 1], [], []>, transpose_lhs_hint = false} : vector<625x64xf32>, vector<64x64xf32>, vector<625x64xf32> -> vector<625x64xf32>
    %slice3A_249 = vector.extract_strided_slice %add3A_227 {offsets = [0, 384], sizes = [625, 64], strides = [1, 1]} : vector<625x1024xf32> to vector<625x64xf32>
    %dot_general3A_250 = arith.constant dense<0.000000e+00> : vector<625x64xf32>
    %dot_general3A_251 = tpu.matmul %slice3A_249, %get3A_230, %dot_general3A_250 {dimension_numbers = #tpu.dot_dimension_numbers<[1], [0], [0], [1], [0, 0, 1, 1], [], []>, transpose_lhs_hint = false} : vector<625x64xf32>, vector<64x64xf32>, vector<625x64xf32> -> vector<625x64xf32>
    %slice3A_252 = vector.extract_strided_slice %add3A_227 {offsets = [0, 448], sizes = [625, 64], strides = [1, 1]} : vector<625x1024xf32> to vector<625x64xf32>
    %dot_general3A_253 = arith.constant dense<0.000000e+00> : vector<625x64xf32>
    %dot_general3A_254 = tpu.matmul %slice3A_252, %get3A_230, %dot_general3A_253 {dimension_numbers = #tpu.dot_dimension_numbers<[1], [0], [0], [1], [0, 0, 1, 1], [], []>, transpose_lhs_hint = false} : vector<625x64xf32>, vector<64x64xf32>, vector<625x64xf32> -> vector<625x64xf32>
    %slice3A_255 = vector.extract_strided_slice %add3A_227 {offsets = [0, 512], sizes = [625, 64], strides = [1, 1]} : vector<625x1024xf32> to vector<625x64xf32>
    %dot_general3A_256 = arith.constant dense<0.000000e+00> : vector<625x64xf32>
    %dot_general3A_257 = tpu.matmul %slice3A_255, %get3A_230, %dot_general3A_256 {dimension_numbers = #tpu.dot_dimension_numbers<[1], [0], [0], [1], [0, 0, 1, 1], [], []>, transpose_lhs_hint = false} : vector<625x64xf32>, vector<64x64xf32>, vector<625x64xf32> -> vector<625x64xf32>
    %slice3A_258 = vector.extract_strided_slice %add3A_227 {offsets = [0, 576], sizes = [625, 64], strides = [1, 1]} : vector<625x1024xf32> to vector<625x64xf32>
    %dot_general3A_259 = arith.constant dense<0.000000e+00> : vector<625x64xf32>
    %dot_general3A_260 = tpu.matmul %slice3A_258, %get3A_230, %dot_general3A_259 {dimension_numbers = #tpu.dot_dimension_numbers<[1], [0], [0], [1], [0, 0, 1, 1], [], []>, transpose_lhs_hint = false} : vector<625x64xf32>, vector<64x64xf32>, vector<625x64xf32> -> vector<625x64xf32>
    %slice3A_261 = vector.extract_strided_slice %add3A_227 {offsets = [0, 640], sizes = [625, 64], strides = [1, 1]} : vector<625x1024xf32> to vector<625x64xf32>
    %dot_general3A_262 = arith.constant dense<0.000000e+00> : vector<625x64xf32>
    %dot_general3A_263 = tpu.matmul %slice3A_261, %get3A_230, %dot_general3A_262 {dimension_numbers = #tpu.dot_dimension_numbers<[1], [0], [0], [1], [0, 0, 1, 1], [], []>, transpose_lhs_hint = false} : vector<625x64xf32>, vector<64x64xf32>, vector<625x64xf32> -> vector<625x64xf32>
    %slice3A_264 = vector.extract_strided_slice %add3A_227 {offsets = [0, 704], sizes = [625, 64], strides = [1, 1]} : vector<625x1024xf32> to vector<625x64xf32>
    %dot_general3A_265 = arith.constant dense<0.000000e+00> : vector<625x64xf32>
    %dot_general3A_266 = tpu.matmul %slice3A_264, %get3A_230, %dot_general3A_265 {dimension_numbers = #tpu.dot_dimension_numbers<[1], [0], [0], [1], [0, 0, 1, 1], [], []>, transpose_lhs_hint = false} : vector<625x64xf32>, vector<64x64xf32>, vector<625x64xf32> -> vector<625x64xf32>
    %slice3A_267 = vector.extract_strided_slice %add3A_227 {offsets = [0, 768], sizes = [625, 64], strides = [1, 1]} : vector<625x1024xf32> to vector<625x64xf32>
    %dot_general3A_268 = arith.constant dense<0.000000e+00> : vector<625x64xf32>
    %dot_general3A_269 = tpu.matmul %slice3A_267, %get3A_230, %dot_general3A_268 {dimension_numbers = #tpu.dot_dimension_numbers<[1], [0], [0], [1], [0, 0, 1, 1], [], []>, transpose_lhs_hint = false} : vector<625x64xf32>, vector<64x64xf32>, vector<625x64xf32> -> vector<625x64xf32>
    %slice3A_270 = vector.extract_strided_slice %add3A_227 {offsets = [0, 832], sizes = [625, 64], strides = [1, 1]} : vector<625x1024xf32> to vector<625x64xf32>
    %dot_general3A_271 = arith.constant dense<0.000000e+00> : vector<625x64xf32>
    %dot_general3A_272 = tpu.matmul %slice3A_270, %get3A_230, %dot_general3A_271 {dimension_numbers = #tpu.dot_dimension_numbers<[1], [0], [0], [1], [0, 0, 1, 1], [], []>, transpose_lhs_hint = false} : vector<625x64xf32>, vector<64x64xf32>, vector<625x64xf32> -> vector<625x64xf32>
    %slice3A_273 = vector.extract_strided_slice %add3A_227 {offsets = [0, 896], sizes = [625, 64], strides = [1, 1]} : vector<625x1024xf32> to vector<625x64xf32>
    %dot_general3A_274 = arith.constant dense<0.000000e+00> : vector<625x64xf32>
    %dot_general3A_275 = tpu.matmul %slice3A_273, %get3A_230, %dot_general3A_274 {dimension_numbers = #tpu.dot_dimension_numbers<[1], [0], [0], [1], [0, 0, 1, 1], [], []>, transpose_lhs_hint = false} : vector<625x64xf32>, vector<64x64xf32>, vector<625x64xf32> -> vector<625x64xf32>
    %slice3A_276 = vector.extract_strided_slice %add3A_227 {offsets = [0, 960], sizes = [625, 64], strides = [1, 1]} : vector<625x1024xf32> to vector<625x64xf32>
    %dot_general3A_277 = arith.constant dense<0.000000e+00> : vector<625x64xf32>
    %dot_general3A_278 = tpu.matmul %slice3A_276, %get3A_230, %dot_general3A_277 {dimension_numbers = #tpu.dot_dimension_numbers<[1], [0], [0], [1], [0, 0, 1, 1], [], []>, transpose_lhs_hint = false} : vector<625x64xf32>, vector<64x64xf32>, vector<625x64xf32> -> vector<625x64xf32>
    %concatenate3A_279 = tpu.concatenate %dot_general3A_233, %dot_general3A_236, %dot_general3A_239, %dot_general3A_242, %dot_general3A_245, %dot_general3A_248, %dot_general3A_251, %dot_general3A_254, %dot_general3A_257, %dot_general3A_260, %dot_general3A_263, %dot_general3A_266, %dot_general3A_269, %dot_general3A_272, %dot_general3A_275, %dot_general3A_278 in 1 : vector<625x64xf32>, vector<625x64xf32>, vector<625x64xf32>, vector<625x64xf32>, vector<625x64xf32>, vector<625x64xf32>, vector<625x64xf32>, vector<625x64xf32>, vector<625x64xf32>, vector<625x64xf32>, vector<625x64xf32>, vector<625x64xf32>, vector<625x64xf32>, vector<625x64xf32>, vector<625x64xf32>, vector<625x64xf32> -> vector<625x1024xf32>
    %mul3A_280 = vector.broadcast %rsqrt3A : vector<625x1xf32> to vector<625x1024xf32>
    %mul3A_281 = arith.mulf %concatenate3A_279, %mul3A_280 : vector<625x1024xf32>
    %convert_element_type3A_282 = arith.truncf %slice3A : vector<625x625xf32> to vector<625x625xbf16>
    %convert_element_type3A_283 = arith.truncf %mul3A_281 : vector<625x1024xf32> to vector<625x1024xbf16>
    %dot_general3A_284 = arith.constant dense<0.000000e+00> : vector<625x1024xf32>
    %dot_general3A_285 = tpu.matmul %convert_element_type3A_282, %convert_element_type3A_283, %dot_general3A_284 {dimension_numbers = #tpu.dot_dimension_numbers<[1], [0], [0], [1], [0, 0, 1, 1], [], []>, transpose_lhs_hint = false} : vector<625x625xbf16>, vector<625x1024xbf16>, vector<625x1024xf32> -> vector<625x1024xf32>
    %add3A_286 = arith.addf %dot_general3A_285, %mul3A_281 : vector<625x1024xf32>
    %mul3A_287 = vector.broadcast %rsqrt3A : vector<625x1xf32> to vector<625x1024xf32>
    %mul3A_288 = arith.mulf %add3A_286, %mul3A_287 : vector<625x1024xf32>
    %get3A_289 = arith.constant 0 : index
    %get3A_290 = vector.load %arg6[%get3A_289] : memref<64xf32, #tpu.memory_space<vmem>>, vector<64xf32>
    %broadcast_in_dim3A_291 = vector.shape_cast %get3A_290 : vector<64xf32> to vector<1x64xf32>
    %concatenate3A_292 = tpu.concatenate %broadcast_in_dim3A_291, %broadcast_in_dim3A_291, %broadcast_in_dim3A_291, %broadcast_in_dim3A_291, %broadcast_in_dim3A_291, %broadcast_in_dim3A_291, %broadcast_in_dim3A_291, %broadcast_in_dim3A_291, %broadcast_in_dim3A_291, %broadcast_in_dim3A_291, %broadcast_in_dim3A_291, %broadcast_in_dim3A_291, %broadcast_in_dim3A_291, %broadcast_in_dim3A_291, %broadcast_in_dim3A_291, %broadcast_in_dim3A_291 in 1 : vector<1x64xf32>, vector<1x64xf32>, vector<1x64xf32>, vector<1x64xf32>, vector<1x64xf32>, vector<1x64xf32>, vector<1x64xf32>, vector<1x64xf32>, vector<1x64xf32>, vector<1x64xf32>, vector<1x64xf32>, vector<1x64xf32>, vector<1x64xf32>, vector<1x64xf32>, vector<1x64xf32>, vector<1x64xf32> -> vector<1x1024xf32>
    %add3A_293 = vector.broadcast %concatenate3A_292 : vector<1x1024xf32> to vector<625x1024xf32>
    %add3A_294 = arith.addf %mul3A_288, %add3A_293 : vector<625x1024xf32>
    %max3A_295 = arith.constant 0.000000e+00 : f32
    %max3A_296 = vector.broadcast %max3A_295 : f32 to vector<625x1024xf32>
    %max3A_297 = arith.maximumf %add3A_294, %max3A_296 : vector<625x1024xf32>
    %get3A_298 = arith.constant 0 : index
    %get3A_299 = vector.load %arg11[%get3A_298] : memref<64xf32, #tpu.memory_space<vmem>>, vector<64xf32>
    %get3A_300 = arith.constant 0 : index
    %get3A_301 = vector.load %arg12[%get3A_300] : memref<64xf32, #tpu.memory_space<vmem>>, vector<64xf32>
    %reduce_sum3A_302 = arith.constant dense<0.000000e+00> : vector<1024xf32>
    %reduce_sum3A_303 = vector.multi_reduction <add>, %max3A_297, %reduce_sum3A_302 [0] : vector<625x1024xf32> to vector<1024xf32>
    %broadcast_in_dim3A_304 = vector.shape_cast %reduce_sum3A_303 : vector<1024xf32> to vector<1x1024xf32>
    %mul3A_305 = arith.mulf %max3A_297, %max3A_297 : vector<625x1024xf32>
    %reduce_sum3A_306 = arith.constant dense<0.000000e+00> : vector<1024xf32>
    %reduce_sum3A_307 = vector.multi_reduction <add>, %mul3A_305, %reduce_sum3A_306 [0] : vector<625x1024xf32> to vector<1024xf32>
    %broadcast_in_dim3A_308 = vector.shape_cast %reduce_sum3A_307 : vector<1024xf32> to vector<1x1024xf32>
    %slice3A_309 = vector.extract_strided_slice %broadcast_in_dim3A_304 {offsets = [0, 0], sizes = [1, 64], strides = [1, 1]} : vector<1x1024xf32> to vector<1x64xf32>
    %slice3A_310 = vector.extract_strided_slice %broadcast_in_dim3A_304 {offsets = [0, 64], sizes = [1, 64], strides = [1, 1]} : vector<1x1024xf32> to vector<1x64xf32>
    %add3A_311 = arith.addf %slice3A_309, %slice3A_310 : vector<1x64xf32>
    %slice3A_312 = vector.extract_strided_slice %broadcast_in_dim3A_304 {offsets = [0, 128], sizes = [1, 64], strides = [1, 1]} : vector<1x1024xf32> to vector<1x64xf32>
    %add3A_313 = arith.addf %add3A_311, %slice3A_312 : vector<1x64xf32>
    %slice3A_314 = vector.extract_strided_slice %broadcast_in_dim3A_304 {offsets = [0, 192], sizes = [1, 64], strides = [1, 1]} : vector<1x1024xf32> to vector<1x64xf32>
    %add3A_315 = arith.addf %add3A_313, %slice3A_314 : vector<1x64xf32>
    %slice3A_316 = vector.extract_strided_slice %broadcast_in_dim3A_304 {offsets = [0, 256], sizes = [1, 64], strides = [1, 1]} : vector<1x1024xf32> to vector<1x64xf32>
    %add3A_317 = arith.addf %add3A_315, %slice3A_316 : vector<1x64xf32>
    %slice3A_318 = vector.extract_strided_slice %broadcast_in_dim3A_304 {offsets = [0, 320], sizes = [1, 64], strides = [1, 1]} : vector<1x1024xf32> to vector<1x64xf32>
    %add3A_319 = arith.addf %add3A_317, %slice3A_318 : vector<1x64xf32>
    %slice3A_320 = vector.extract_strided_slice %broadcast_in_dim3A_304 {offsets = [0, 384], sizes = [1, 64], strides = [1, 1]} : vector<1x1024xf32> to vector<1x64xf32>
    %add3A_321 = arith.addf %add3A_319, %slice3A_320 : vector<1x64xf32>
    %slice3A_322 = vector.extract_strided_slice %broadcast_in_dim3A_304 {offsets = [0, 448], sizes = [1, 64], strides = [1, 1]} : vector<1x1024xf32> to vector<1x64xf32>
    %add3A_323 = arith.addf %add3A_321, %slice3A_322 : vector<1x64xf32>
    %slice3A_324 = vector.extract_strided_slice %broadcast_in_dim3A_304 {offsets = [0, 512], sizes = [1, 64], strides = [1, 1]} : vector<1x1024xf32> to vector<1x64xf32>
    %add3A_325 = arith.addf %add3A_323, %slice3A_324 : vector<1x64xf32>
    %slice3A_326 = vector.extract_strided_slice %broadcast_in_dim3A_304 {offsets = [0, 576], sizes = [1, 64], strides = [1, 1]} : vector<1x1024xf32> to vector<1x64xf32>
    %add3A_327 = arith.addf %add3A_325, %slice3A_326 : vector<1x64xf32>
    %slice3A_328 = vector.extract_strided_slice %broadcast_in_dim3A_304 {offsets = [0, 640], sizes = [1, 64], strides = [1, 1]} : vector<1x1024xf32> to vector<1x64xf32>
    %add3A_329 = arith.addf %add3A_327, %slice3A_328 : vector<1x64xf32>
    %slice3A_330 = vector.extract_strided_slice %broadcast_in_dim3A_304 {offsets = [0, 704], sizes = [1, 64], strides = [1, 1]} : vector<1x1024xf32> to vector<1x64xf32>
    %add3A_331 = arith.addf %add3A_329, %slice3A_330 : vector<1x64xf32>
    %slice3A_332 = vector.extract_strided_slice %broadcast_in_dim3A_304 {offsets = [0, 768], sizes = [1, 64], strides = [1, 1]} : vector<1x1024xf32> to vector<1x64xf32>
    %add3A_333 = arith.addf %add3A_331, %slice3A_332 : vector<1x64xf32>
    %slice3A_334 = vector.extract_strided_slice %broadcast_in_dim3A_304 {offsets = [0, 832], sizes = [1, 64], strides = [1, 1]} : vector<1x1024xf32> to vector<1x64xf32>
    %add3A_335 = arith.addf %add3A_333, %slice3A_334 : vector<1x64xf32>
    %slice3A_336 = vector.extract_strided_slice %broadcast_in_dim3A_304 {offsets = [0, 896], sizes = [1, 64], strides = [1, 1]} : vector<1x1024xf32> to vector<1x64xf32>
    %add3A_337 = arith.addf %add3A_335, %slice3A_336 : vector<1x64xf32>
    %slice3A_338 = vector.extract_strided_slice %broadcast_in_dim3A_304 {offsets = [0, 960], sizes = [1, 64], strides = [1, 1]} : vector<1x1024xf32> to vector<1x64xf32>
    %add3A_339 = arith.addf %add3A_337, %slice3A_338 : vector<1x64xf32>
    %div3A_340 = arith.constant 1.000000e+04 : f32
    %div3A_341 = vector.broadcast %div3A_340 : f32 to vector<1x64xf32>
    %div3A_342 = arith.divf %add3A_339, %div3A_341 : vector<1x64xf32>
    %slice3A_343 = vector.extract_strided_slice %broadcast_in_dim3A_308 {offsets = [0, 0], sizes = [1, 64], strides = [1, 1]} : vector<1x1024xf32> to vector<1x64xf32>
    %slice3A_344 = vector.extract_strided_slice %broadcast_in_dim3A_308 {offsets = [0, 64], sizes = [1, 64], strides = [1, 1]} : vector<1x1024xf32> to vector<1x64xf32>
    %add3A_345 = arith.addf %slice3A_343, %slice3A_344 : vector<1x64xf32>
    %slice3A_346 = vector.extract_strided_slice %broadcast_in_dim3A_308 {offsets = [0, 128], sizes = [1, 64], strides = [1, 1]} : vector<1x1024xf32> to vector<1x64xf32>
    %add3A_347 = arith.addf %add3A_345, %slice3A_346 : vector<1x64xf32>
    %slice3A_348 = vector.extract_strided_slice %broadcast_in_dim3A_308 {offsets = [0, 192], sizes = [1, 64], strides = [1, 1]} : vector<1x1024xf32> to vector<1x64xf32>
    %add3A_349 = arith.addf %add3A_347, %slice3A_348 : vector<1x64xf32>
    %slice3A_350 = vector.extract_strided_slice %broadcast_in_dim3A_308 {offsets = [0, 256], sizes = [1, 64], strides = [1, 1]} : vector<1x1024xf32> to vector<1x64xf32>
    %add3A_351 = arith.addf %add3A_349, %slice3A_350 : vector<1x64xf32>
    %slice3A_352 = vector.extract_strided_slice %broadcast_in_dim3A_308 {offsets = [0, 320], sizes = [1, 64], strides = [1, 1]} : vector<1x1024xf32> to vector<1x64xf32>
    %add3A_353 = arith.addf %add3A_351, %slice3A_352 : vector<1x64xf32>
    %slice3A_354 = vector.extract_strided_slice %broadcast_in_dim3A_308 {offsets = [0, 384], sizes = [1, 64], strides = [1, 1]} : vector<1x1024xf32> to vector<1x64xf32>
    %add3A_355 = arith.addf %add3A_353, %slice3A_354 : vector<1x64xf32>
    %slice3A_356 = vector.extract_strided_slice %broadcast_in_dim3A_308 {offsets = [0, 448], sizes = [1, 64], strides = [1, 1]} : vector<1x1024xf32> to vector<1x64xf32>
    %add3A_357 = arith.addf %add3A_355, %slice3A_356 : vector<1x64xf32>
    %slice3A_358 = vector.extract_strided_slice %broadcast_in_dim3A_308 {offsets = [0, 512], sizes = [1, 64], strides = [1, 1]} : vector<1x1024xf32> to vector<1x64xf32>
    %add3A_359 = arith.addf %add3A_357, %slice3A_358 : vector<1x64xf32>
    %slice3A_360 = vector.extract_strided_slice %broadcast_in_dim3A_308 {offsets = [0, 576], sizes = [1, 64], strides = [1, 1]} : vector<1x1024xf32> to vector<1x64xf32>
    %add3A_361 = arith.addf %add3A_359, %slice3A_360 : vector<1x64xf32>
    %slice3A_362 = vector.extract_strided_slice %broadcast_in_dim3A_308 {offsets = [0, 640], sizes = [1, 64], strides = [1, 1]} : vector<1x1024xf32> to vector<1x64xf32>
    %add3A_363 = arith.addf %add3A_361, %slice3A_362 : vector<1x64xf32>
    %slice3A_364 = vector.extract_strided_slice %broadcast_in_dim3A_308 {offsets = [0, 704], sizes = [1, 64], strides = [1, 1]} : vector<1x1024xf32> to vector<1x64xf32>
    %add3A_365 = arith.addf %add3A_363, %slice3A_364 : vector<1x64xf32>
    %slice3A_366 = vector.extract_strided_slice %broadcast_in_dim3A_308 {offsets = [0, 768], sizes = [1, 64], strides = [1, 1]} : vector<1x1024xf32> to vector<1x64xf32>
    %add3A_367 = arith.addf %add3A_365, %slice3A_366 : vector<1x64xf32>
    %slice3A_368 = vector.extract_strided_slice %broadcast_in_dim3A_308 {offsets = [0, 832], sizes = [1, 64], strides = [1, 1]} : vector<1x1024xf32> to vector<1x64xf32>
    %add3A_369 = arith.addf %add3A_367, %slice3A_368 : vector<1x64xf32>
    %slice3A_370 = vector.extract_strided_slice %broadcast_in_dim3A_308 {offsets = [0, 896], sizes = [1, 64], strides = [1, 1]} : vector<1x1024xf32> to vector<1x64xf32>
    %add3A_371 = arith.addf %add3A_369, %slice3A_370 : vector<1x64xf32>
    %slice3A_372 = vector.extract_strided_slice %broadcast_in_dim3A_308 {offsets = [0, 960], sizes = [1, 64], strides = [1, 1]} : vector<1x1024xf32> to vector<1x64xf32>
    %add3A_373 = arith.addf %add3A_371, %slice3A_372 : vector<1x64xf32>
    %div3A_374 = arith.constant 1.000000e+04 : f32
    %div3A_375 = vector.broadcast %div3A_374 : f32 to vector<1x64xf32>
    %div3A_376 = arith.divf %add3A_373, %div3A_375 : vector<1x64xf32>
    %mul3A_377 = arith.mulf %div3A_342, %div3A_342 : vector<1x64xf32>
    %sub3A_378 = arith.subf %div3A_376, %mul3A_377 : vector<1x64xf32>
    %add3A_379 = arith.constant 9.99999974E-6 : f32
    %add3A_380 = vector.broadcast %add3A_379 : f32 to vector<1x64xf32>
    %add3A_381 = arith.addf %sub3A_378, %add3A_380 : vector<1x64xf32>
    %rsqrt3A_382 = math.rsqrt %add3A_381 : vector<1x64xf32>
    %broadcast_in_dim3A_383 = vector.shape_cast %get3A_299 : vector<64xf32> to vector<1x64xf32>
    %mul3A_384 = arith.mulf %rsqrt3A_382, %broadcast_in_dim3A_383 : vector<1x64xf32>
    %broadcast_in_dim3A_385 = vector.shape_cast %get3A_301 : vector<64xf32> to vector<1x64xf32>
    %mul3A_386 = arith.mulf %div3A_342, %mul3A_384 : vector<1x64xf32>
    %sub3A_387 = arith.subf %broadcast_in_dim3A_385, %mul3A_386 : vector<1x64xf32>
    %concatenate3A_388 = tpu.concatenate %mul3A_384, %mul3A_384, %mul3A_384, %mul3A_384, %mul3A_384, %mul3A_384, %mul3A_384, %mul3A_384, %mul3A_384, %mul3A_384, %mul3A_384, %mul3A_384, %mul3A_384, %mul3A_384, %mul3A_384, %mul3A_384 in 1 : vector<1x64xf32>, vector<1x64xf32>, vector<1x64xf32>, vector<1x64xf32>, vector<1x64xf32>, vector<1x64xf32>, vector<1x64xf32>, vector<1x64xf32>, vector<1x64xf32>, vector<1x64xf32>, vector<1x64xf32>, vector<1x64xf32>, vector<1x64xf32>, vector<1x64xf32>, vector<1x64xf32>, vector<1x64xf32> -> vector<1x1024xf32>
    %mul3A_389 = vector.broadcast %concatenate3A_388 : vector<1x1024xf32> to vector<625x1024xf32>
    %mul3A_390 = arith.mulf %max3A_297, %mul3A_389 : vector<625x1024xf32>
    %concatenate3A_391 = tpu.concatenate %sub3A_387, %sub3A_387, %sub3A_387, %sub3A_387, %sub3A_387, %sub3A_387, %sub3A_387, %sub3A_387, %sub3A_387, %sub3A_387, %sub3A_387, %sub3A_387, %sub3A_387, %sub3A_387, %sub3A_387, %sub3A_387 in 1 : vector<1x64xf32>, vector<1x64xf32>, vector<1x64xf32>, vector<1x64xf32>, vector<1x64xf32>, vector<1x64xf32>, vector<1x64xf32>, vector<1x64xf32>, vector<1x64xf32>, vector<1x64xf32>, vector<1x64xf32>, vector<1x64xf32>, vector<1x64xf32>, vector<1x64xf32>, vector<1x64xf32>, vector<1x64xf32> -> vector<1x1024xf32>
    %add3A_392 = vector.broadcast %concatenate3A_391 : vector<1x1024xf32> to vector<625x1024xf32>
    %add3A_393 = arith.addf %mul3A_390, %add3A_392 : vector<625x1024xf32>
    %get3A_394 = arith.constant 0 : index
    %get3A_395 = arith.constant 0 : index
    %get3A_396 = vector.load %arg7[%get3A_394, %get3A_395] : memref<64x64xf32, #tpu.memory_space<vmem>>, vector<64x64xf32>
    %slice3A_397 = vector.extract_strided_slice %add3A_393 {offsets = [0, 0], sizes = [625, 64], strides = [1, 1]} : vector<625x1024xf32> to vector<625x64xf32>
    %dot_general3A_398 = arith.constant dense<0.000000e+00> : vector<625x64xf32>
    %dot_general3A_399 = tpu.matmul %slice3A_397, %get3A_396, %dot_general3A_398 {dimension_numbers = #tpu.dot_dimension_numbers<[1], [0], [0], [1], [0, 0, 1, 1], [], []>, transpose_lhs_hint = false} : vector<625x64xf32>, vector<64x64xf32>, vector<625x64xf32> -> vector<625x64xf32>
    %slice3A_400 = vector.extract_strided_slice %add3A_393 {offsets = [0, 64], sizes = [625, 64], strides = [1, 1]} : vector<625x1024xf32> to vector<625x64xf32>
    %dot_general3A_401 = arith.constant dense<0.000000e+00> : vector<625x64xf32>
    %dot_general3A_402 = tpu.matmul %slice3A_400, %get3A_396, %dot_general3A_401 {dimension_numbers = #tpu.dot_dimension_numbers<[1], [0], [0], [1], [0, 0, 1, 1], [], []>, transpose_lhs_hint = false} : vector<625x64xf32>, vector<64x64xf32>, vector<625x64xf32> -> vector<625x64xf32>
    %slice3A_403 = vector.extract_strided_slice %add3A_393 {offsets = [0, 128], sizes = [625, 64], strides = [1, 1]} : vector<625x1024xf32> to vector<625x64xf32>
    %dot_general3A_404 = arith.constant dense<0.000000e+00> : vector<625x64xf32>
    %dot_general3A_405 = tpu.matmul %slice3A_403, %get3A_396, %dot_general3A_404 {dimension_numbers = #tpu.dot_dimension_numbers<[1], [0], [0], [1], [0, 0, 1, 1], [], []>, transpose_lhs_hint = false} : vector<625x64xf32>, vector<64x64xf32>, vector<625x64xf32> -> vector<625x64xf32>
    %slice3A_406 = vector.extract_strided_slice %add3A_393 {offsets = [0, 192], sizes = [625, 64], strides = [1, 1]} : vector<625x1024xf32> to vector<625x64xf32>
    %dot_general3A_407 = arith.constant dense<0.000000e+00> : vector<625x64xf32>
    %dot_general3A_408 = tpu.matmul %slice3A_406, %get3A_396, %dot_general3A_407 {dimension_numbers = #tpu.dot_dimension_numbers<[1], [0], [0], [1], [0, 0, 1, 1], [], []>, transpose_lhs_hint = false} : vector<625x64xf32>, vector<64x64xf32>, vector<625x64xf32> -> vector<625x64xf32>
    %slice3A_409 = vector.extract_strided_slice %add3A_393 {offsets = [0, 256], sizes = [625, 64], strides = [1, 1]} : vector<625x1024xf32> to vector<625x64xf32>
    %dot_general3A_410 = arith.constant dense<0.000000e+00> : vector<625x64xf32>
    %dot_general3A_411 = tpu.matmul %slice3A_409, %get3A_396, %dot_general3A_410 {dimension_numbers = #tpu.dot_dimension_numbers<[1], [0], [0], [1], [0, 0, 1, 1], [], []>, transpose_lhs_hint = false} : vector<625x64xf32>, vector<64x64xf32>, vector<625x64xf32> -> vector<625x64xf32>
    %slice3A_412 = vector.extract_strided_slice %add3A_393 {offsets = [0, 320], sizes = [625, 64], strides = [1, 1]} : vector<625x1024xf32> to vector<625x64xf32>
    %dot_general3A_413 = arith.constant dense<0.000000e+00> : vector<625x64xf32>
    %dot_general3A_414 = tpu.matmul %slice3A_412, %get3A_396, %dot_general3A_413 {dimension_numbers = #tpu.dot_dimension_numbers<[1], [0], [0], [1], [0, 0, 1, 1], [], []>, transpose_lhs_hint = false} : vector<625x64xf32>, vector<64x64xf32>, vector<625x64xf32> -> vector<625x64xf32>
    %slice3A_415 = vector.extract_strided_slice %add3A_393 {offsets = [0, 384], sizes = [625, 64], strides = [1, 1]} : vector<625x1024xf32> to vector<625x64xf32>
    %dot_general3A_416 = arith.constant dense<0.000000e+00> : vector<625x64xf32>
    %dot_general3A_417 = tpu.matmul %slice3A_415, %get3A_396, %dot_general3A_416 {dimension_numbers = #tpu.dot_dimension_numbers<[1], [0], [0], [1], [0, 0, 1, 1], [], []>, transpose_lhs_hint = false} : vector<625x64xf32>, vector<64x64xf32>, vector<625x64xf32> -> vector<625x64xf32>
    %slice3A_418 = vector.extract_strided_slice %add3A_393 {offsets = [0, 448], sizes = [625, 64], strides = [1, 1]} : vector<625x1024xf32> to vector<625x64xf32>
    %dot_general3A_419 = arith.constant dense<0.000000e+00> : vector<625x64xf32>
    %dot_general3A_420 = tpu.matmul %slice3A_418, %get3A_396, %dot_general3A_419 {dimension_numbers = #tpu.dot_dimension_numbers<[1], [0], [0], [1], [0, 0, 1, 1], [], []>, transpose_lhs_hint = false} : vector<625x64xf32>, vector<64x64xf32>, vector<625x64xf32> -> vector<625x64xf32>
    %slice3A_421 = vector.extract_strided_slice %add3A_393 {offsets = [0, 512], sizes = [625, 64], strides = [1, 1]} : vector<625x1024xf32> to vector<625x64xf32>
    %dot_general3A_422 = arith.constant dense<0.000000e+00> : vector<625x64xf32>
    %dot_general3A_423 = tpu.matmul %slice3A_421, %get3A_396, %dot_general3A_422 {dimension_numbers = #tpu.dot_dimension_numbers<[1], [0], [0], [1], [0, 0, 1, 1], [], []>, transpose_lhs_hint = false} : vector<625x64xf32>, vector<64x64xf32>, vector<625x64xf32> -> vector<625x64xf32>
    %slice3A_424 = vector.extract_strided_slice %add3A_393 {offsets = [0, 576], sizes = [625, 64], strides = [1, 1]} : vector<625x1024xf32> to vector<625x64xf32>
    %dot_general3A_425 = arith.constant dense<0.000000e+00> : vector<625x64xf32>
    %dot_general3A_426 = tpu.matmul %slice3A_424, %get3A_396, %dot_general3A_425 {dimension_numbers = #tpu.dot_dimension_numbers<[1], [0], [0], [1], [0, 0, 1, 1], [], []>, transpose_lhs_hint = false} : vector<625x64xf32>, vector<64x64xf32>, vector<625x64xf32> -> vector<625x64xf32>
    %slice3A_427 = vector.extract_strided_slice %add3A_393 {offsets = [0, 640], sizes = [625, 64], strides = [1, 1]} : vector<625x1024xf32> to vector<625x64xf32>
    %dot_general3A_428 = arith.constant dense<0.000000e+00> : vector<625x64xf32>
    %dot_general3A_429 = tpu.matmul %slice3A_427, %get3A_396, %dot_general3A_428 {dimension_numbers = #tpu.dot_dimension_numbers<[1], [0], [0], [1], [0, 0, 1, 1], [], []>, transpose_lhs_hint = false} : vector<625x64xf32>, vector<64x64xf32>, vector<625x64xf32> -> vector<625x64xf32>
    %slice3A_430 = vector.extract_strided_slice %add3A_393 {offsets = [0, 704], sizes = [625, 64], strides = [1, 1]} : vector<625x1024xf32> to vector<625x64xf32>
    %dot_general3A_431 = arith.constant dense<0.000000e+00> : vector<625x64xf32>
    %dot_general3A_432 = tpu.matmul %slice3A_430, %get3A_396, %dot_general3A_431 {dimension_numbers = #tpu.dot_dimension_numbers<[1], [0], [0], [1], [0, 0, 1, 1], [], []>, transpose_lhs_hint = false} : vector<625x64xf32>, vector<64x64xf32>, vector<625x64xf32> -> vector<625x64xf32>
    %slice3A_433 = vector.extract_strided_slice %add3A_393 {offsets = [0, 768], sizes = [625, 64], strides = [1, 1]} : vector<625x1024xf32> to vector<625x64xf32>
    %dot_general3A_434 = arith.constant dense<0.000000e+00> : vector<625x64xf32>
    %dot_general3A_435 = tpu.matmul %slice3A_433, %get3A_396, %dot_general3A_434 {dimension_numbers = #tpu.dot_dimension_numbers<[1], [0], [0], [1], [0, 0, 1, 1], [], []>, transpose_lhs_hint = false} : vector<625x64xf32>, vector<64x64xf32>, vector<625x64xf32> -> vector<625x64xf32>
    %slice3A_436 = vector.extract_strided_slice %add3A_393 {offsets = [0, 832], sizes = [625, 64], strides = [1, 1]} : vector<625x1024xf32> to vector<625x64xf32>
    %dot_general3A_437 = arith.constant dense<0.000000e+00> : vector<625x64xf32>
    %dot_general3A_438 = tpu.matmul %slice3A_436, %get3A_396, %dot_general3A_437 {dimension_numbers = #tpu.dot_dimension_numbers<[1], [0], [0], [1], [0, 0, 1, 1], [], []>, transpose_lhs_hint = false} : vector<625x64xf32>, vector<64x64xf32>, vector<625x64xf32> -> vector<625x64xf32>
    %slice3A_439 = vector.extract_strided_slice %add3A_393 {offsets = [0, 896], sizes = [625, 64], strides = [1, 1]} : vector<625x1024xf32> to vector<625x64xf32>
    %dot_general3A_440 = arith.constant dense<0.000000e+00> : vector<625x64xf32>
    %dot_general3A_441 = tpu.matmul %slice3A_439, %get3A_396, %dot_general3A_440 {dimension_numbers = #tpu.dot_dimension_numbers<[1], [0], [0], [1], [0, 0, 1, 1], [], []>, transpose_lhs_hint = false} : vector<625x64xf32>, vector<64x64xf32>, vector<625x64xf32> -> vector<625x64xf32>
    %slice3A_442 = vector.extract_strided_slice %add3A_393 {offsets = [0, 960], sizes = [625, 64], strides = [1, 1]} : vector<625x1024xf32> to vector<625x64xf32>
    %dot_general3A_443 = arith.constant dense<0.000000e+00> : vector<625x64xf32>
    %dot_general3A_444 = tpu.matmul %slice3A_442, %get3A_396, %dot_general3A_443 {dimension_numbers = #tpu.dot_dimension_numbers<[1], [0], [0], [1], [0, 0, 1, 1], [], []>, transpose_lhs_hint = false} : vector<625x64xf32>, vector<64x64xf32>, vector<625x64xf32> -> vector<625x64xf32>
    %concatenate3A_445 = tpu.concatenate %dot_general3A_399, %dot_general3A_402, %dot_general3A_405, %dot_general3A_408, %dot_general3A_411, %dot_general3A_414, %dot_general3A_417, %dot_general3A_420, %dot_general3A_423, %dot_general3A_426, %dot_general3A_429, %dot_general3A_432, %dot_general3A_435, %dot_general3A_438, %dot_general3A_441, %dot_general3A_444 in 1 : vector<625x64xf32>, vector<625x64xf32>, vector<625x64xf32>, vector<625x64xf32>, vector<625x64xf32>, vector<625x64xf32>, vector<625x64xf32>, vector<625x64xf32>, vector<625x64xf32>, vector<625x64xf32>, vector<625x64xf32>, vector<625x64xf32>, vector<625x64xf32>, vector<625x64xf32>, vector<625x64xf32>, vector<625x64xf32> -> vector<625x1024xf32>
    %mul3A_446 = vector.broadcast %rsqrt3A : vector<625x1xf32> to vector<625x1024xf32>
    %mul3A_447 = arith.mulf %concatenate3A_445, %mul3A_446 : vector<625x1024xf32>
    %convert_element_type3A_448 = arith.truncf %slice3A : vector<625x625xf32> to vector<625x625xbf16>
    %convert_element_type3A_449 = arith.truncf %mul3A_447 : vector<625x1024xf32> to vector<625x1024xbf16>
    %dot_general3A_450 = arith.constant dense<0.000000e+00> : vector<625x1024xf32>
    %dot_general3A_451 = tpu.matmul %convert_element_type3A_448, %convert_element_type3A_449, %dot_general3A_450 {dimension_numbers = #tpu.dot_dimension_numbers<[1], [0], [0], [1], [0, 0, 1, 1], [], []>, transpose_lhs_hint = false} : vector<625x625xbf16>, vector<625x1024xbf16>, vector<625x1024xf32> -> vector<625x1024xf32>
    %add3A_452 = arith.addf %dot_general3A_451, %mul3A_447 : vector<625x1024xf32>
    %mul3A_453 = vector.broadcast %rsqrt3A : vector<625x1xf32> to vector<625x1024xf32>
    %mul3A_454 = arith.mulf %add3A_452, %mul3A_453 : vector<625x1024xf32>
    %get3A_455 = arith.constant 0 : index
    %get3A_456 = vector.load %arg8[%get3A_455] : memref<64xf32, #tpu.memory_space<vmem>>, vector<64xf32>
    %broadcast_in_dim3A_457 = vector.shape_cast %get3A_456 : vector<64xf32> to vector<1x64xf32>
    %concatenate3A_458 = tpu.concatenate %broadcast_in_dim3A_457, %broadcast_in_dim3A_457, %broadcast_in_dim3A_457, %broadcast_in_dim3A_457, %broadcast_in_dim3A_457, %broadcast_in_dim3A_457, %broadcast_in_dim3A_457, %broadcast_in_dim3A_457, %broadcast_in_dim3A_457, %broadcast_in_dim3A_457, %broadcast_in_dim3A_457, %broadcast_in_dim3A_457, %broadcast_in_dim3A_457, %broadcast_in_dim3A_457, %broadcast_in_dim3A_457, %broadcast_in_dim3A_457 in 1 : vector<1x64xf32>, vector<1x64xf32>, vector<1x64xf32>, vector<1x64xf32>, vector<1x64xf32>, vector<1x64xf32>, vector<1x64xf32>, vector<1x64xf32>, vector<1x64xf32>, vector<1x64xf32>, vector<1x64xf32>, vector<1x64xf32>, vector<1x64xf32>, vector<1x64xf32>, vector<1x64xf32>, vector<1x64xf32> -> vector<1x1024xf32>
    %add3A_459 = vector.broadcast %concatenate3A_458 : vector<1x1024xf32> to vector<625x1024xf32>
    %add3A_460 = arith.addf %mul3A_454, %add3A_459 : vector<625x1024xf32>
    %max3A_461 = arith.constant 0.000000e+00 : f32
    %max3A_462 = vector.broadcast %max3A_461 : f32 to vector<625x1024xf32>
    %max3A_463 = arith.maximumf %add3A_460, %max3A_462 : vector<625x1024xf32>
    %get3A_464 = arith.constant 0 : index
    %get3A_465 = arith.constant 0 : index
    %get3A_466 = vector.load %arg2[%get3A_464, %get3A_465] : memref<1x1xi32, #tpu.memory_space<vmem>>, vector<1x1xi32>
    %get3A_467 = vector.extract %get3A_466[0, 0] : i32 from vector<1x1xi32>
    %sub3A_468 = arith.constant 16 : i32
    %sub3A_469 = arith.subi %get3A_467, %sub3A_468 : i32
    %convert_element_type3A_470 = arith.sitofp %sub3A_469 : i32 to f32
    %add3A_471 = vector.broadcast %convert_element_type3A_470 : f32 to vector<625x1024xf32>
    %add3A_472 = arith.addf %max3A_463, %add3A_471 : vector<625x1024xf32>
    %swap3A = arith.constant 0 : index
    %swap3A_473 = arith.constant 0 : index
    %swap3A_474 = vector.load %arg13[%swap3A, %swap3A_473] : memref<625x1024xf32, #tpu.memory_space<vmem>>, vector<625x1024xf32>
    tpu.vector_store %arg13[%swap3A, %swap3A_473], %add3A_472 {strides = array<i32>} : memref<625x1024xf32, #tpu.memory_space<vmem>>, vector<625x1024xf32>,
    return
  }
}

</mosaic_0001>

<sc_bundles>
// kernel: kernel.4.cloned.1.call-start
scs
__scs_entry_jumppad:
0x0: {  	(pc) =	sbr.rel $0x88, $3  }
0x1: {  	(tag) =	ssettag $0x0;
	lr =	simm.s32 $0x1  }
0x2: {  	[smem:$0x3F94] =	sst lr;
	_ =	strace $0xD0000000  }
0x3: {  	_ = 	snop  }
0x4: {  	_ = 	snop  }
0x5: {  	_ = 	snop  }
0x6: {  	_ = 	snop  }
0x7: {  	_ = 	snop  }
__scs_overlays_trampoline_lowered:
0x8: {  	[smem:$0x3FA3] =	sst s0  }
0x9: {  	[smem:$0x3FA4] =	sst s1  }
0xa: {  	[smem:$0x3FA5] =	sst s2  }
0xb: {  	[smem:$0x3FA6] =	sst s3  }
0xc: {  	[smem:$0x3FA7] =	sst s4  }
0xd: {  	[smem:$0x3FA8] =	sst s5  }
0xe: {  	[smem:$0x3FA9] =	sst s6  }
0xf: {  	[smem:$0x3FAA] =	sst s7  }
0x10: {  	[smem:$0x3FAB] =	sst s8  }
0x11: {  	[smem:$0x3FAC] =	sst s9;
	s0 =	simm.s32 @!p0 $0x0  }
0x12: {  	s1 =	sld [smem:$0x3F92];
	s0 =	simm.s32 @p0 $0x1  }
0x13: {  	[smem:$0x3FAD] =	sst s0;
	s0 =	simm.s32 @!p1 $0x0  }
0x14: {  	s2 =	sld [smem:$0x3F91];
	s0 =	simm.s32 @p1 $0x1  }
0x15: {  	[smem:$0x3FAE] =	sst s0;
	s0 =	simm.s32 @!p2 $0x0  }
0x16: {  	s3 =	sld [smem:$0x3FDB];
	s0 =	simm.s32 @p2 $0x1  }
0x17: {  	s4 =	simm.s32 $0x1BF5;
	[smem:$0x3FB0] =	sst s0  }
0x18: {  	s0 =	sld [smem:$0x3F93];
	_ =	swait.ge [sflag:s4], $0x0  }
0x19: {  	s7 =	sld [smem:$0x3F94]  }
0x1a: {  	s8 =	sadd.s32 $0xFFFFE003, lr  }
0x1b: {  	s9 =	sadd.s32 $0xFFFFFEF7, lr;
	s5 =	simm.s32 $0xFFFFFFFF;
	p2 =	slt.u32 s8, $0xFFFFF086  }
0x1c: {  	p1 =	slt.u32 s9, $0xF7A;
	s5 =	simm.s32 @!p2 $0x0  }
0x1d: {  	s5 =	simm.s32 @p1 $0x1;
	p0 =	seq.s32 s7, s2  }
0x1e: {  	s7 =	smul.u32 @!p0 $0xF7A, s2;
	p2 =	seq.s32 @!p0 s5, $0x0  }
0x1f: {  	s9 =	smul.u32 $0xF7A, s1;
	s8 =	simm.s32 @!p0 $0x1BF5;
	p2 =	por !p2, p0  }
0x20: {  	[sflag:s8] =	ssyncset.s32 @!p0 $0xFFFFF086;
	s6 =	sadd.s32 @!p0 s3, s7;
	s7 =	simm.s32 @!p0 $0x108  }
0x21: {  	s3 =	sadd.s32 s3, s9;
	s6 =	sadd.s32 @!p0 $0x88, s6;
	s7 =	simm.s32 @p2 $0x1082  }
0x22: {  	[simem:s7], [sflag:s8] =	dma.local @!p0 [hbm:s6], $0xF7A  }
0x23: {  	s9 =	sor.u32 $0xD0000000, s2;
	s6 =	simm.s32 $0x108;
	_ =	swait.ge @!p0 [sflag:s8], $0x0  }
0x24: {  	s3 =	sadd.s32 $0x88, s3;
	s6 =	simm.s32 @!p1 $0x1082;
	[sflag:s4] =	ssyncset.s32 $0xFFFFF086  }
0x25: {  	[simem:s6], [sflag:s4] =	dma.local [hbm:s3], $0xF7A  }
0x26: {  	[smem:$0x3F94] =	sst s1;
	(tag) =	ssettag s2;
	_ =	strace s9  }
0x27: {  	s1 =	sld [smem:$0x3FA4]  }
0x28: {  	s2 =	sld [smem:$0x3FA5]  }
0x29: {  	s4 =	sld [smem:$0x3FA7]  }
0x2a: {  	p0 =	seq.s32 s5, $0x0;
	s5 =	sld [smem:$0x3FA8]  }
0x2b: {  	s6 =	sld [smem:$0x3FA9]  }
0x2c: {  	s7 =	sld [smem:$0x3FAA]  }
0x2d: {  	s3 =	simm.s32 $0x108;
	s8 =	sld [smem:$0x3FAB]  }
0x2e: {  	s3 =	simm.s32 @!p0 $0x1082;
	s9 =	sld [smem:$0x3FAC]  }
0x2f: {  	lr =	sadd.s32 s0, s3;
	s0 =	sld [smem:$0x3FA3]  }
0x30: {  	s3 =	sld [smem:$0x3FA6]  }
0x31: {  	[smem:$0x3FAF] =	sst s10  }
0x32: {  	s10 =	sld [smem:$0x3FAD];
	_ =	sdelay $0x3  }
0x33: {  	p0 =	seq.s32 s10, $0x1;
	s10 =	sld [smem:$0x3FAF];
	_ =	sdelay $0x3  }
0x34: {  	[smem:$0x3FAF] =	sst s10  }
0x35: {  	s10 =	sld [smem:$0x3FAE];
	_ =	sdelay $0x3  }
0x36: {  	p1 =	seq.s32 s10, $0x1;
	s10 =	sld [smem:$0x3FAF];
	_ =	sdelay $0x3  }
0x37: {  	[smem:$0x3FAF] =	sst s10  }
0x38: {  	s10 =	sld [smem:$0x3FB0]  }
0x39: {  	_ = 	snop;
	(pc) =	sbr.ind lr, $3  }
0x3a: {  	_ = 	snop  }
0x3b: {  	_ = 	snop  }
0x3c: {  	p2 =	seq.s32 s10, $0x1;
	s10 =	sld [smem:$0x3FAF]  }
0x3d: {  	_ =	shalt  }
0x3e: {  	_ =	shalt  }
0x3f: {  	_ =	shalt  }
0x40: {  	_ =	shalt  }
0x41: {  	_ =	shalt  }
0x42: {  	_ =	shalt  }
0x43: {  	_ =	shalt  }
0x44: {  	_ =	shalt  }
0x45: {  	_ =	shalt  }
0x46: {  	_ =	shalt  }
0x47: {  	_ =	shalt  }
0x48: {  	_ =	shalt  }
0x49: {  	_ =	shalt  }
0x4a: {  	_ =	shalt  }
0x4b: {  	_ =	shalt  }
0x4c: {  	_ =	shalt  }
0x4d: {  	_ =	shalt  }
0x4e: {  	_ =	shalt  }
0x4f: {  	_ =	shalt  }
0x50: {  	_ =	shalt  }
0x51: {  	_ =	shalt  }
0x52: {  	_ =	shalt  }
0x53: {  	_ =	shalt  }
0x54: {  	_ =	shalt  }
0x55: {  	_ =	shalt  }
0x56: {  	_ =	shalt  }
0x57: {  	_ =	shalt  }
0x58: {  	_ =	shalt  }
0x59: {  	_ =	shalt  }
0x5a: {  	_ =	shalt  }
0x5b: {  	_ =	shalt  }
0x5c: {  	_ =	shalt  }
0x5d: {  	_ =	shalt  }
0x5e: {  	_ =	shalt  }
0x5f: {  	_ =	shalt  }
0x60: {  	_ =	shalt  }
0x61: {  	_ =	shalt  }
0x62: {  	_ =	shalt  }
0x63: {  	_ =	shalt  }
0x64: {  	_ =	shalt  }
0x65: {  	_ =	shalt  }
0x66: {  	_ =	shalt  }
0x67: {  	_ =	shalt  }
0x68: {  	_ =	shalt  }
0x69: {  	_ =	shalt  }
0x6a: {  	_ =	shalt  }
0x6b: {  	_ =	shalt  }
0x6c: {  	_ =	shalt  }
0x6d: {  	_ =	shalt  }
0x6e: {  	_ =	shalt  }
0x6f: {  	_ =	shalt  }
0x70: {  	_ =	shalt  }
0x71: {  	_ =	shalt  }
0x72: {  	_ =	shalt  }
0x73: {  	_ =	shalt  }
0x74: {  	_ =	shalt  }
0x75: {  	_ =	shalt  }
0x76: {  	_ =	shalt  }
0x77: {  	_ =	shalt  }
0x78: {  	_ =	shalt  }
0x79: {  	_ =	shalt  }
0x7a: {  	_ =	shalt  }
0x7b: {  	_ =	shalt  }
0x7c: {  	_ =	shalt  }
0x7d: {  	_ =	shalt  }
0x7e: {  	_ =	shalt  }
0x7f: {  	_ =	shalt  }
0x80: {  	_ =	shalt  }
0x81: {  	_ =	shalt  }
0x82: {  	_ =	shalt  }
0x83: {  	_ =	shalt  }
0x84: {  	_ =	shalt  }
0x85: {  	_ =	shalt  }
0x86: {  	_ =	shalt  }
0x87: {  	_ =	shalt  }
.Lfunc_end0:
.L_simem_size_0:
called_computation_lowered:
.L_overlay_start_0:
0x88: {  	s0 =	sld [smem:$0x3FD9]  }
0x89: {  	s1 =	sld [smem:$0x3FFE];
	_ =	sdelay $0x3  }
0x8a: {  	s0 =	sadd.s32 s1, s0  }
0x8b: {  	[smem:$0x3FBB] =	sst s0  }
0x8c: {  	_ = 	snop  }
0x8d: {  	s0 =	sld [smem:$0x3FD0];
	(tm) =	ssettm $0x1  }
0x8e: {  	s16 =	sld [smem:$0x3FFB];
	_ =	sdelay $0x3  }
0x8f: {  	_ =	strace s16  }
0x90: {  	s1 =	sld [smem:$0x3FFC];
	_ =	sdelay $0x3  }
0x91: {  	_ =	strace s1  }
0x92: {  	s1 =	sld [smem:$0x3FFD];
	_ =	sdelay $0x3  }
0x93: {  	_ =	strace s1  }
0x94: {  	_ =	strace $0x8FFFFFFF  }
0x95: {  	s17 =	sld [smem:$0x3FDB];
	_ =	sdelay $0x1  }
0x96: {  	s2 =	simm.s32 $_scs_section_size  }
0x97: {  	s3 =	simm.s32 $_size__tile_overlayer_lowered;
	s4 =	simm.s32 $_tile_overlayer_lowered  }
0x98: {  	s20 =	simm.s32 $0x1BFF;
	s19 =	sshll.u32 s4, $0x1;
	s1 =	sadd.s32 s2, s17  }
0x99: {  	s5 =	simm.s32 $0x0;
	s18 =	sshll.u32 s3, $0x1;
	s3 =	sadd.s32 s19, s1  }
0x9a: {  	[timem:s5], [sflag:s20] =	dma.local [hbm:s3], s18  }
0x9b: {  	_ =	swait.ge [sflag:s20], s18  }
0x9c: {  	s2 =	ssub.s32 $0x0, s18;
	[sflag:s20] =	ssyncset.done $0x0  }
0x9d: {  	[sflag:s20] =	ssyncadd.s32 s2;
	_ =	sdelay $0x1  }
0x9e: {  	s21 =	simm.s32 $0x1B8B  }
0x9f: {  	_ =	swait.ge [sflag:s21], $0x1  }
0xa0: {  	[sflag:s21] =	ssyncset.done $0x0  }
0xa1: {  	s23 =	simm.s32 $0x1B8E;
	s22 =	sld [smem:$0x3FFE];
	[sflag:s21] =	ssyncadd.s32 $0xFFFFFFFF  }
0xa2: {  	s24 =	simm.s32 $execute0_lowered;
	[smem:$0x3FD2] =	sst s23  }
0xa3: {  	s3 =	sshll.u32 s24, $0x1;
	_ =	strace $0x80000046;
	[dreg:$0x1] =	wrdreg $0xFFFFFFFF  }
0xa4: {  	s25 =	simm.s32 $_size_execute0_lowered;
	s1 =	sadd.s32 s1, s3;
	[dreg:$0x0] =	wrdreg $0x0  }
0xa5: {  	s3 =	sshll.u32 s25, $0x1;
	[dreg:$0x2] =	wrdreg s1  }
0xa6: {  	[dreg:$0x3] =	wrdreg s3  }
0xa7: {  	[dreg:$0x4] =	wrdreg $0xC0  }
0xa8: {  	_ =	task [dreg:s5], $0x5FFFF  }
0xa9: {  	[dreg:$0x1] =	wrdreg $0xFFFFFFFF  }
0xaa: {  	[dreg:$0x0] =	wrdreg $0x60  }
0xab: {  	[dreg:$0x2] =	wrdreg s22  }
0xac: {  	[dreg:$0x3] =	wrdreg s0  }
0xad: {  	[dreg:$0x4] =	wrdreg $0x81000  }
0xae: {  	[dreg:$0x5] =	wrdreg $0x9  }
0xaf: {  	_ =	task.clear_ibuf [dreg:s5], $0x6FFFF;
	_ =	strace $0x90000046  }
0xb0: {  	s26 =	simm.s32 $0x9;
	_ =	strace $0x80000048  }
0xb1: {  	_ =	swait.ge [sflag:s26], $0x1  }
0xb2: {  	[sflag:s26] =	ssyncadd.s32 $0xFFFFFFFF  }
0xb3: {  	_ =	strace $0x90000048  }
0xb4: {  	_ =	sfence  }
0xb5: {  	s28 =	sld [smem:$0x0];
	_ =	sdelay $0x1  }
0xb6: {  	s29 =	srdreg.scid  }
0xb7: {  	s30 =	sshll.u32 s29, $0xD;
	s31 =	sshrl.u32 s29, $0x2  }
0xb8: {  	s2 =	sand.u32 $0x4000, s30;
	s1 =	sand.u32 $0x1, s29;
	s0 =	sadd.s32 s31, s28  }
0xb9: {  	s1 =	sor.u32 s2, s1;
	s0 =	sshll.u32 s0, $0x11  }
0xba: {  	s0 =	sor.u32 s0, s1  }
0xbb: {  	s0 =	sadd.s32 $0x8F2B, s0  }
0xbc: {  	[sflag:s0] =	ssyncadd.remote.s32 $0x1  }
0xbd: {  	_ =	sfence.sel $0xFFFF  }
0xbe: {  	[dreg:$0x0] =	wrdreg $0xFFFFFFFF;
	(pc) =	sbr.abs _section_cstart, $3  }
0xbf: {  	[dreg:$0x1] =	wrdreg $0xFFFFFFFF  }
0xc0: {  	_ =	task.clear_ibuf [dreg:s5], $0x2FFFF;
	_ =	strace $0x9FFFFFFF  }
0xc1: {  	(tm) =	ssettm $0x7FFFFFFF  }
tec
execute0_lowered:
.L_overlay_start_1:
0x0: {  	(tag) =	ssettag $0x1  }
0x1: {  	s2 =	rddreg [dreg:$0x0]  }
0x2: {  	s6 =	rddreg [dreg:$0x1];
	s1 =	stileid.u32  }
0x3: {  	s3 =	rddreg [dreg:$0x2];
	s5 =	smul.u32 $0x140, s1  }
0x4: {  	s0 =	rddreg [dreg:$0x3];
	s4 =	simm.s32 $0x0  }
0x5: {  	[smem:$0x7FF] =	sst s4;
	s4 =	simm.s32 $0x0;
	s2 =	sadd.s32 s5, s2  }
0x6: {  	v0 =	vimm.f32 $0.0e+00;
	_ =	strace $0x80000047;
	s5 =	sadd.s32 $0x1A00, s2;
	s2 =	simm.s32 $0x40  }
.LBB2_1:
0x7: {  	p0 =	sne.s32 s2, $0x31C0;
	[tilespmem:s4+$0x7480] =	vst v0;
	s4 =	smov.u32 s2;
	s2 =	sadd.s32 $0x40, s2  }
.Ltmp0:
0x8: {  	(pc) =	sbr.rel @p0 .LBB2_1-.Ltmp0, $2  }
0x9: {  	_ =	sdelay $0x2  }
0xa: {  	s4 =	sshra.s32 s4, $0x2  }
0xb: {  	s7 =	smul.u32 $0x61D0, s1;
	_ =	sdelay $0x1  }
0xc: {  	[tilespmem:s4+$0x7480] =	vst v0;
	s23 =	simm.s32 $0x7480;
	s2 =	sadd.s32 s7, s3  }
0xd: {  	[spmem:s2] =	stream.linear.scatter [tilespmem:s23], [sflag:$0x1], $0xC80, $0x38;
	[tilespmem:$0xE2D0] =	vst v63  }
0xe: {  	s8 =	sadd.s32 $0xC80, s2  }
0xf: {  	[spmem:s8] =	stream.linear.scatter [tilespmem:s23], [sflag:$0x1], $0xC80, $0x38;
	[tilespmem:$0xE2D0] =	vst v63  }
0x10: {  	s24 =	sadd.s32 $0x1900, s2  }
0x11: {  	[spmem:s24] =	stream.linear.scatter [tilespmem:s23], [sflag:$0x1], $0xC80, $0x38;
	[tilespmem:$0xE2D0] =	vst v63  }
0x12: {  	s25 =	sadd.s32 $0x2580, s2  }
0x13: {  	[spmem:s25] =	stream.linear.scatter [tilespmem:s23], [sflag:$0x1], $0xC80, $0x38;
	[tilespmem:$0xE2D0] =	vst v63  }
0x14: {  	s26 =	sadd.s32 $0x3200, s2  }
0x15: {  	[spmem:s26] =	stream.linear.scatter [tilespmem:s23], [sflag:$0x1], $0xC80, $0x38;
	[tilespmem:$0xE2D0] =	vst v63  }
0x16: {  	s28 =	sadd.s32 $0x3E80, s2  }
0x17: {  	[spmem:s28] =	stream.linear.scatter [tilespmem:s23], [sflag:$0x1], $0xC80, $0x38;
	[tilespmem:$0xE2D0] =	vst v63  }
0x18: {  	s29 =	sadd.s32 $0x4B00, s2  }
0x19: {  	[spmem:s29] =	stream.linear.scatter [tilespmem:s23], [sflag:$0x1], $0xC80, $0x38;
	[tilespmem:$0xE2D0] =	vst v63  }
0x1a: {  	s30 =	sadd.s32 $0x5780, s2  }
0x1b: {  	[spmem:s30] =	stream.linear.scatter [tilespmem:s23], [sflag:$0x1], $0xA50, $0x38;
	[tilespmem:$0xE2D0] =	vst v63  }
0x1c: {  	s4 =	simm.s32 $0x0;
	p0 =	sne.s32 s1, $0xF  }
0x1d: {  	[tilespmem:s4], [sflag:$0x2] =	stream.linear.gather [hbm4b:s5+s4], $0xA00, $0x38;
	[tilespmem:$0xE2D0] =	vst v63  }
.Ltmp1:
0x1e: {  	_ = 	snop;
	(pc) =	sbr.rel @p0 .LBB2_5-.Ltmp1, $4  }
0x1f: {  	s5 =	simm.s32 $0x2  }
0x20: {  	s31 =	sshrl.u32 s7, $0x3;
	s9 =	sadd.s32 $0x30F0, s7;
	_ =	swait.ge [sflag:s5], $0xA00  }
0x21: {  	s7 =	sadd.s32 s6, s31;
	s10 =	sshrl.u32 s9, $0x3;
	[sflag:s5] =	ssyncset.done $0x0  }
0x22: {  	s6 =	sadd.s32 s6, s10;
	s8 =	sadd.s32 s9, s3;
	[sflag:s5] =	ssyncadd.s32 $0xFFFFF600  }
0x23: {  	s10 =	simm.s32 $0x320;
	s9 =	simm.s32 $0x640  }
0x24: {  	s10 =	sand.u32 $0x70, s10;
	s11 =	sand.u32 $0xF00, s9  }
0x25: {  	v0 =	vimm.s32 $0x271;
	s11 =	sor.u32 s10, s11  }
0x26: {  	s10 =	simm.s32 $0x330;
	[tilespmem:s11+$0x80] =	vst v0  }
.LBB2_4:
0x27: {  	p0 =	sne.s32 s10, $0x4F0  }
.Ltmp2:
0x28: {  	_ = 	snop;
	(pc) =	sbr.rel @p0 .LBB2_4-.Ltmp2, $4  }
0x29: {  	s9 =	sadd.s32 $0x20, s9  }
0x2a: {  	s11 =	sand.u32 $0x70, s10;
	s12 =	sand.u32 $0xF00, s9  }
0x2b: {  	s11 =	sor.u32 s11, s12  }
0x2c: {  	s10 =	sadd.s32 $0x10, s10;
	[tilespmem:s11+$0x80] =	vst v0  }
.LBB2_5:
0x2d: {  	v4 =	vld [tilespmem:$0x80]  }
0x2e: {  	v6 =	vld [tilespmem:$0x0]  }
0x2f: {  	v0 =	vld [tilespmem:$0x350]  }
0x30: {  	v14 =	vld [tilespmem:$0x90]  }
0x31: {  	v15 =	vld [tilespmem:$0x10]  }
0x32: {  	v20 =	vld [tilespmem:$0xA0]  }
0x33: {  	v21 =	vld [tilespmem:$0x20]  }
0x34: {  	[tilespmem:$0x1FEA0] =	vst v0;
	v0 =	vld [tilespmem:$0x370]  }
0x35: {  	v26 =	vld [tilespmem:$0xB0]  }
0x36: {  	v27 =	vld [tilespmem:$0x30]  }
0x37: {  	v32 =	vld [tilespmem:$0xC0]  }
0x38: {  	v33 =	vld [tilespmem:$0x40]  }
0x39: {  	[tilespmem:$0x1FED0] =	vst v0;
	v0 =	vld [tilespmem:$0x480]  }
0x3a: {  	v38 =	vld [tilespmem:$0xD0]  }
0x3b: {  	v39 =	vld [tilespmem:$0x50]  }
0x3c: {  	v44 =	vld [tilespmem:$0xE0]  }
0x3d: {  	v45 =	vld [tilespmem:$0x60]  }
0x3e: {  	[tilespmem:$0x1FEC0] =	vst v0;
	v0 =	vld [tilespmem:$0x400]  }
0x3f: {  	v50 =	vld [tilespmem:$0xF0]  }
0x40: {  	v51 =	vld [tilespmem:$0x70]  }
0x41: {  	v56 =	vld [tilespmem:$0x180]  }
0x42: {  	v57 =	vld [tilespmem:$0x100]  }
0x43: {  	[tilespmem:$0x1FEF0] =	vst v0;
	v0 =	vld [tilespmem:$0x490]  }
0x44: {  	v62 =	vld [tilespmem:$0x190]  }
0x45: {  	v8 =	vld [tilespmem:$0x110]  }
0x46: {  	v3 =	vld [tilespmem:$0x1A0]  }
0x47: {  	v10 =	vld [tilespmem:$0x120]  }
0x48: {  	[tilespmem:$0x1FEE0] =	vst v0;
	v0 =	vld [tilespmem:$0x410]  }
0x49: {  	v5 =	vld [tilespmem:$0x1B0]  }
0x4a: {  	v12 =	vld [tilespmem:$0x130]  }
0x4b: {  	v7 =	vld [tilespmem:$0x1C0]  }
0x4c: {  	v16 =	vld [tilespmem:$0x140]  }
0x4d: {  	[tilespmem:$0x1FF10] =	vst v0;
	v0 =	vld [tilespmem:$0x4A0]  }
0x4e: {  	v9 =	vld [tilespmem:$0x1D0]  }
0x4f: {  	v18 =	vld [tilespmem:$0x150]  }
0x50: {  	v11 =	vld [tilespmem:$0x1E0]  }
0x51: {  	v22 =	vld [tilespmem:$0x160]  }
0x52: {  	[tilespmem:$0x1FF00] =	vst v0;
	v0 =	vld [tilespmem:$0x420]  }
0x53: {  	v13 =	vld [tilespmem:$0x1F0]  }
0x54: {  	v24 =	vld [tilespmem:$0x170]  }
0x55: {  	v17 =	vld [tilespmem:$0x280]  }
0x56: {  	v28 =	vld [tilespmem:$0x200]  }
0x57: {  	[tilespmem:$0x1FF30] =	vst v0;
	v0 =	vld [tilespmem:$0x4B0]  }
0x58: {  	v19 =	vld [tilespmem:$0x290]  }
0x59: {  	v63 =	vld [tilespmem:$0x210]  }
0x5a: {  	v23 =	vld [tilespmem:$0x2A0]  }
0x5b: {  	v1 =	vld [tilespmem:$0x460]  }
0x5c: {  	[tilespmem:$0x1FF20] =	vst v0;
	v0 =	vld [tilespmem:$0x430]  }
0x5d: {  	v60 =	vld [tilespmem:$0x220]  }
0x5e: {  	v25 =	vld [tilespmem:$0x2B0]  }
0x5f: {  	v58 =	vld [tilespmem:$0x230]  }
0x60: {  	[tilespmem:$0x1FFB0] =	vst v1;
	v1 =	vld [tilespmem:$0x4F0]  }
0x61: {  	[tilespmem:$0x1FF50] =	vst v0;
	v0 =	vld [tilespmem:$0x4C0]  }
0x62: {  	v29 =	vld [tilespmem:$0x2C0]  }
0x63: {  	v54 =	vld [tilespmem:$0x240]  }
0x64: {  	v61 =	vld [tilespmem:$0x2D0]  }
0x65: {  	[tilespmem:$0x1FFA0] =	vst v1;
	v1 =	vld [tilespmem:$0x470]  }
0x66: {  	[tilespmem:$0x1FF40] =	vst v0;
	v0 =	vld [tilespmem:$0x440]  }
0x67: {  	v52 =	vld [tilespmem:$0x250]  }
0x68: {  	v59 =	vld [tilespmem:$0x2E0]  }
0x69: {  	v48 =	vld [tilespmem:$0x260]  }
0x6a: {  	[tilespmem:$0x1FFD0] =	vst v1;
	v1 =	vld [tilespmem:$0x580]  }
0x6b: {  	[tilespmem:$0x1FF70] =	vst v0;
	v0 =	vld [tilespmem:$0x4D0]  }
0x6c: {  	v55 =	vld [tilespmem:$0x2F0]  }
0x6d: {  	v46 =	vld [tilespmem:$0x270]  }
0x6e: {  	v53 =	vld [tilespmem:$0x380]  }
0x6f: {  	[tilespmem:$0x1FFC0] =	vst v1;
	v1 =	vld [tilespmem:$0x500]  }
0x70: {  	[tilespmem:$0x1FF60] =	vst v0;
	v0 =	vld [tilespmem:$0x450]  }
0x71: {  	v42 =	vld [tilespmem:$0x300]  }
0x72: {  	v31 =	vld [tilespmem:$0x360]  }
0x73: {  	v49 =	vld [tilespmem:$0x390]  }
0x74: {  	[tilespmem:$0x1FFF0] =	vst v1;
	v1 =	vld [tilespmem:$0x590]  }
0x75: {  	v2 =	vmul.u32 $0x280, v14;
	[tilespmem:$0x1FF90] =	vst v0;
	v0 =	vld [tilespmem:$0x4E0]  }
0x76: {  	v40 =	vld [tilespmem:$0x310]  }
0x77: {  	v47 =	vld [tilespmem:$0x3A0];
	[tilespmem:$0x1FEB0] =	vst v31;
	v15 =	vadd.s32 v15, v2  }
0x78: {  	v36 =	vld [tilespmem:$0x320];
	[tilespmem:$0xA10] =	vst v15  }
0x79: {  	v43 =	vld [tilespmem:$0x3B0];
	[tilespmem:$0x1FFE0] =	vst v1  }
0x7a: {  	v34 =	vld [tilespmem:$0x330];
	[tilespmem:$0x1FF80] =	vst v0;
	v0 =	vimm.f32 $1.000000000e+00  }
0x7b: {  	v41 =	vld [tilespmem:$0x3C0];
	[tilespmem:$0x1200] =	vst v0  }
0x7c: {  	v30 =	vld [tilespmem:$0x340];
	[tilespmem:$0x1210] =	vst v0  }
0x7d: {  	v37 =	vld [tilespmem:$0x3D0];
	[tilespmem:$0x1220] =	vst v0  }
0x7e: {  	v35 =	vld [tilespmem:$0x3E0];
	[tilespmem:$0x1230] =	vst v0  }
0x7f: {  	v31 =	vld [tilespmem:$0x3F0];
	[tilespmem:$0x1240] =	vst v0  }
0x80: {  	v14 =	vld [tilespmem:$0x5A0];
	v1 =	vmul.u32 $0x280, v4;
	[tilespmem:$0x1250] =	vst v0  }
0x81: {  	v15 =	vld [tilespmem:$0x530];
	[tilespmem:$0x1260] =	vst v0  }
0x82: {  	v4 =	vld [tilespmem:$0x510];
	[tilespmem:$0x1270] =	vst v0;
	v0 =	vadd.s32 v6, v1;
	v1 =	vmul.u32 $0x280, v20  }
0x83: {  	v2 =	vmul.u32 $0x280, v26;
	v6 =	vld [tilespmem:$0x520]  }
0x84: {  	v20 =	vld [tilespmem:$0x5B0];
	v26 =	vadd.s32 v21, v1  }
0x85: {  	v1 =	vmul.u32 $0x280, v32;
	v21 =	vadd.s32 v27, v2;
	v32 =	vmul.u32 $0x280, v38;
	[tilespmem:$0xA20] =	vst v26;
	v26 =	vld [tilespmem:$0x5C0]  }
0x86: {  	[tilespmem:$0xA30] =	vst v21;
	v21 =	vld [tilespmem:$0x540]  }
0x87: {  	v44 =	vmul.u32 $0x280, v44;
	v27 =	vadd.s32 v39, v32;
	v32 =	vld [tilespmem:$0x5D0]  }
0x88: {  	v38 =	vadd.s32 v33, v1;
	v33 =	vld [tilespmem:$0x560]  }
0x89: {  	v39 =	vadd.s32 v45, v44;
	v44 =	vmul.u32 $0x280, v56;
	v56 =	vmul.u32 $0x280, v3;
	v3 =	vld [tilespmem:$0x6B0];
	[tilespmem:$0xA40] =	vst v38  }
0x8a: {  	[tilespmem:$0xA50] =	vst v27;
	v27 =	vld [tilespmem:$0x550]  }
0x8b: {  	v38 =	vmul.u32 $0x280, v50;
	[tilespmem:$0xA60] =	vst v39;
	v50 =	vmul.u32 $0x280, v62;
	v39 =	vld [tilespmem:$0x570]  }
0x8c: {  	v62 =	vmul.u32 $0x280, v5;
	v5 =	vadd.s32 v10, v56;
	v10 =	vmul.u32 $0x280, v9;
	v56 =	vld [tilespmem:$0x690]  }
0x8d: {  	v9 =	vmul.u32 $0x280, v19;
	v19 =	vmul.u32 $0x280, v61;
	v61 =	vmul.u32 $0x280, v41;
	v41 =	vld [tilespmem:$0x1FF30]  }
0x8e: {  	v45 =	vadd.s32 v51, v38;
	v38 =	vld [tilespmem:$0x5E0]  }
0x8f: {  	v51 =	vadd.s32 v57, v44;
	v44 =	vld [tilespmem:$0x5F0]  }
0x90: {  	v7 =	vmul.u32 $0x280, v7;
	v57 =	vadd.s32 v8, v50;
	v50 =	vld [tilespmem:$0x680];
	[tilespmem:$0xA70] =	vst v45  }
0x91: {  	[tilespmem:$0xA80] =	vst v51;
	v45 =	vld [tilespmem:$0x600]  }
0x92: {  	v8 =	vadd.s32 v12, v62;
	v12 =	vadd.s32 v16, v7;
	[tilespmem:$0xA90] =	vst v57;
	v57 =	vld [tilespmem:$0x620]  }
0x93: {  	v62 =	vmul.u32 $0x280, v13;
	[tilespmem:$0xAC0] =	vst v12;
	v51 =	vadd.s32 v18, v10;
	v12 =	vadd.s32 v63, v9;
	v9 =	vld [tilespmem:$0x650]  }
0x94: {  	v16 =	vmul.u32 $0x280, v11;
	v11 =	vmul.u32 $0x280, v23;
	[tilespmem:$0xAD0] =	vst v51;
	v51 =	vld [tilespmem:$0x610]  }
0x95: {  	v7 =	vmul.u32 $0x280, v17;
	[tilespmem:$0xAB0] =	vst v8;
	v8 =	vadd.s32 v24, v62;
	v62 =	vld [tilespmem:$0x6A0]  }
0x96: {  	[tilespmem:$0xAA0] =	vst v5;
	v5 =	vadd.s32 v22, v16;
	v16 =	vadd.s32 v60, v11;
	v60 =	vld [tilespmem:$0x630]  }
0x97: {  	v10 =	vadd.s32 v28, v7;
	v7 =	vld [tilespmem:$0x640]  }
0x98: {  	v13 =	vmul.u32 $0x280, v25;
	v11 =	vld [tilespmem:$0x660]  }
0x99: {  	v17 =	vmul.u32 $0x280, v29;
	[tilespmem:$0xB10] =	vst v12;
	v12 =	vld [tilespmem:$0x6F0]  }
0x9a: {  	v23 =	vmul.u32 $0x280, v59;
	v25 =	vmul.u32 $0x280, v55;
	v18 =	vadd.s32 v58, v13;
	v13 =	vld [tilespmem:$0x670]  }
0x9b: {  	v29 =	vmul.u32 $0x280, v53;
	v22 =	vadd.s32 v54, v17;
	v17 =	vld [tilespmem:$0x700]  }
0x9c: {  	v28 =	vadd.s32 v48, v23;
	v48 =	vadd.s32 v46, v25;
	v25 =	vld [tilespmem:$0x1FEA0]  }
0x9d: {  	v53 =	vadd.s32 v42, v29;
	v29 =	vld [tilespmem:$0x1FEB0]  }
0x9e: {  	v23 =	vadd.s32 v30, v61;
	v30 =	vld [tilespmem:$0x1FEC0]  }
0x9f: {  	v24 =	vadd.s32 v52, v19;
	v19 =	vld [tilespmem:$0x710]  }
0xa0: {  	v42 =	vld [tilespmem:$0x1FF40]  }
0xa1: {  	v58 =	vmul.u32 $0x280, v43;
	v43 =	vld [tilespmem:$0x1FF50]  }
0xa2: {  	v46 =	vld [tilespmem:$0x1FF60]  }
0xa3: {  	v54 =	vmul.u32 $0x280, v47;
	v47 =	vld [tilespmem:$0x1FF70]  }
0xa4: {  	v52 =	vmul.u32 $0x280, v49;
	v49 =	vld [tilespmem:$0x1FF90]  }
0xa5: {  	v61 =	vmul.u32 $0x280, v14;
	v14 =	vld [tilespmem:$0x760]  }
0xa6: {  	[tilespmem:$0xAE0] =	vst v5;
	v5 =	vld [tilespmem:$0x6C0]  }
0xa7: {  	[tilespmem:$0xAF0] =	vst v8;
	v8 =	vld [tilespmem:$0x6D0]  }
0xa8: {  	[tilespmem:$0xB00] =	vst v10;
	v10 =	vld [tilespmem:$0x6E0]  }
0xa9: {  	[tilespmem:$0xB20] =	vst v16;
	v16 =	vld [tilespmem:$0x780]  }
0xaa: {  	[tilespmem:$0xB30] =	vst v18;
	v18 =	vld [tilespmem:$0x790]  }
0xab: {  	[tilespmem:$0xB60] =	vst v28;
	v28 =	vmul.u32 $0x280, v31;
	v31 =	vld [tilespmem:$0x1FED0]  }
0xac: {  	[tilespmem:$0xB50] =	vst v24;
	v24 =	vmul.u32 $0x280, v35;
	v35 =	vld [tilespmem:$0x1FEF0]  }
0xad: {  	[tilespmem:$0xBC0] =	vst v23;
	v23 =	vld [tilespmem:$0x720]  }
0xae: {  	[tilespmem:$0xB40] =	vst v22;
	v22 =	vmul.u32 $0x280, v37;
	v37 =	vld [tilespmem:$0x1FF10]  }
0xaf: {  	[tilespmem:$0xB70] =	vst v48;
	v48 =	vld [tilespmem:$0x1FF80]  }
0xb0: {  	[tilespmem:$0xB80] =	vst v53;
	v53 =	vld [tilespmem:$0x1FFB0]  }
0xb1: {  	v63 =	vadd.s32 v34, v58;
	v34 =	vld [tilespmem:$0x1FEE0]  }
0xb2: {  	[tilespmem:$0xA00] =	vst v0;
	v55 =	vadd.s32 v40, v52;
	v59 =	vadd.s32 v36, v54;
	v36 =	vld [tilespmem:$0x1FF00]  }
0xb3: {  	v40 =	vld [tilespmem:$0x1FF20];
	[tilespmem:$0xB90] =	vst v55  }
0xb4: {  	v52 =	vld [tilespmem:$0x1FFA0];
	[tilespmem:$0xBA0] =	vst v59  }
0xb5: {  	v54 =	vld [tilespmem:$0x1FFC0];
	[tilespmem:$0xBB0] =	vst v63;
	v0 =	vadd.s32 v25, v22  }
0xb6: {  	v58 =	vld [tilespmem:$0x1FFE0];
	v1 =	vmul.u32 $0x280, v30;
	[tilespmem:$0xBD0] =	vst v0;
	v0 =	vadd.s32 v29, v24  }
0xb7: {  	v55 =	vld [tilespmem:$0x1FFD0];
	[tilespmem:$0xBE0] =	vst v0;
	v0 =	vadd.s32 v31, v28  }
0xb8: {  	v59 =	vld [tilespmem:$0x1FFF0];
	v2 =	vmul.u32 $0x280, v34;
	[tilespmem:$0xBF0] =	vst v0;
	v0 =	vadd.s32 v35, v1  }
0xb9: {  	v22 =	vld [tilespmem:$0x7A0];
	v1 =	vmul.u32 $0x280, v36;
	v36 =	vadd.s32 v6, v61;
	[tilespmem:$0xC00] =	vst v0  }
0xba: {  	v25 =	vld [tilespmem:$0x730];
	v35 =	vmul.u32 $0x280, v20;
	v0 =	vadd.s32 v37, v2;
	[tilespmem:$0xCA0] =	vst v36  }
0xbb: {  	v30 =	vld [tilespmem:$0x7D0];
	v2 =	vmul.u32 $0x280, v40;
	[tilespmem:$0xC10] =	vst v0;
	v0 =	vadd.s32 v41, v1  }
0xbc: {  	v24 =	vld [tilespmem:$0x7B0];
	v37 =	vmul.u32 $0x280, v26;
	v40 =	vadd.s32 v15, v35;
	[tilespmem:$0xC20] =	vst v0  }
0xbd: {  	v29 =	vld [tilespmem:$0x740];
	v1 =	vmul.u32 $0x280, v42;
	v0 =	vadd.s32 v43, v2;
	[tilespmem:$0xCB0] =	vst v40  }
0xbe: {  	v28 =	vld [tilespmem:$0x7C0];
	v41 =	vmul.u32 $0x280, v32;
	v42 =	vadd.s32 v21, v37;
	[tilespmem:$0xC30] =	vst v0  }
0xbf: {  	v31 =	vld [tilespmem:$0x750];
	v35 =	vmul.u32 $0x280, v12;
	v0 =	vadd.s32 v47, v1;
	[tilespmem:$0xCC0] =	vst v42  }
0xc0: {  	v34 =	vld [tilespmem:$0x7E0];
	v2 =	vmul.u32 $0x280, v46;
	v46 =	vadd.s32 v27, v41;
	[tilespmem:$0xC40] =	vst v0  }
0xc1: {  	v6 =	vld [tilespmem:$0x770];
	v43 =	vmul.u32 $0x280, v38;
	v40 =	vadd.s32 v13, v35;
	[tilespmem:$0xCD0] =	vst v46  }
0xc2: {  	v20 =	vld [tilespmem:$0x800];
	v61 =	vmul.u32 $0x280, v8;
	v0 =	vadd.s32 v49, v2;
	[tilespmem:$0xD70] =	vst v40  }
0xc3: {  	v8 =	vld [tilespmem:$0x8C0];
	v38 =	vmul.u32 $0x280, v16;
	v1 =	vmul.u32 $0x280, v48;
	v48 =	vadd.s32 v33, v43;
	[tilespmem:$0xC50] =	vst v0  }
0xc4: {  	v26 =	vld [tilespmem:$0x810];
	v33 =	vadd.s32 v9, v61;
	[tilespmem:$0xCE0] =	vst v48  }
0xc5: {  	v36 =	vld [tilespmem:$0x8D0];
	v47 =	vmul.u32 $0x280, v44;
	v43 =	vadd.s32 v17, v38;
	[tilespmem:$0xD50] =	vst v33  }
0xc6: {  	v15 =	vld [tilespmem:$0x880];
	v41 =	vmul.u32 $0x280, v18;
	v0 =	vadd.s32 v53, v1;
	[tilespmem:$0xD80] =	vst v43  }
0xc7: {  	v32 =	vld [tilespmem:$0x820];
	v2 =	vmul.u32 $0x280, v52;
	v49 =	vmul.u32 $0x280, v50;
	v50 =	vadd.s32 v39, v47;
	[tilespmem:$0xC60] =	vst v0  }
0xc8: {  	v21 =	vld [tilespmem:$0x890];
	v46 =	vadd.s32 v19, v41;
	[tilespmem:$0xCF0] =	vst v50  }
0xc9: {  	v27 =	vld [tilespmem:$0x8A0];
	v52 =	vmul.u32 $0x280, v56;
	v0 =	vadd.s32 v55, v2;
	[tilespmem:$0xD90] =	vst v46  }
0xca: {  	v42 =	vld [tilespmem:$0x8E0];
	v56 =	vmul.u32 $0x280, v3;
	v53 =	vadd.s32 v45, v49;
	[tilespmem:$0xC70] =	vst v0  }
0xcb: {  	v44 =	vmul.u32 $0x280, v22;
	v22 =	vld [tilespmem:$0x9A0];
	v55 =	vadd.s32 v51, v52;
	[tilespmem:$0xD00] =	vst v53  }
0xcc: {  	v3 =	vld [tilespmem:$0x8B0];
	v1 =	vmul.u32 $0x280, v54;
	v60 =	vadd.s32 v60, v56;
	[tilespmem:$0xD10] =	vst v55  }
0xcd: {  	v40 =	vld [tilespmem:$0x9D0];
	v54 =	vmul.u32 $0x280, v62;
	v49 =	vadd.s32 v23, v44;
	[tilespmem:$0xD30] =	vst v60  }
0xce: {  	v39 =	vld [tilespmem:$0x850];
	v47 =	vmul.u32 $0x280, v24;
	v0 =	vadd.s32 v59, v1;
	[tilespmem:$0xDA0] =	vst v49  }
0xcf: {  	v48 =	vld [tilespmem:$0x8F0];
	v2 =	vmul.u32 $0x280, v58;
	v58 =	vadd.s32 v57, v54;
	[tilespmem:$0xC80] =	vst v0  }
0xd0: {  	v43 =	vld [tilespmem:$0x950];
	v50 =	vmul.u32 $0x280, v28;
	v52 =	vadd.s32 v25, v47;
	[tilespmem:$0xD20] =	vst v58  }
0xd1: {  	v45 =	vld [tilespmem:$0x860];
	v56 =	vmul.u32 $0x280, v34;
	v63 =	vadd.s32 v4, v2;
	[tilespmem:$0xDB0] =	vst v52  }
0xd2: {  	v51 =	vld [tilespmem:$0x870];
	v59 =	vmul.u32 $0x280, v5;
	v55 =	vadd.s32 v29, v50;
	[tilespmem:$0xC90] =	vst v63  }
0xd3: {  	v28 =	vld [tilespmem:$0x9B0];
	v53 =	vmul.u32 $0x280, v30;
	v61 =	vadd.s32 v14, v56;
	[tilespmem:$0xDC0] =	vst v55  }
0xd4: {  	v34 =	vld [tilespmem:$0x9C0];
	v21 =	vmul.u32 $0x280, v21;
	v62 =	vadd.s32 v7, v59;
	[tilespmem:$0xDE0] =	vst v61  }
0xd5: {  	v5 =	vld [tilespmem:$0x830];
	v24 =	vmul.u32 $0x280, v27;
	v58 =	vadd.s32 v31, v53;
	[tilespmem:$0xD40] =	vst v62  }
0xd6: {  	v33 =	vmul.u32 $0x280, v36;
	v54 =	vld [tilespmem:$0x980];
	v26 =	vadd.s32 v26, v21;
	[tilespmem:$0xDD0] =	vst v58  }
0xd7: {  	v57 =	vld [tilespmem:$0x900];
	v63 =	vmul.u32 $0x280, v10;
	[tilespmem:$0xE10] =	vst v26;
	v29 =	vadd.s32 v32, v24  }
0xd8: {  	v60 =	vld [tilespmem:$0x990];
	v36 =	vmul.u32 $0x280, v42;
	v38 =	vadd.s32 v39, v33;
	[tilespmem:$0xE20] =	vst v29  }
0xd9: {  	v25 =	vld [tilespmem:$0x920];
	v62 =	vmul.u32 $0x280, v15;
	v37 =	vadd.s32 v11, v63;
	[tilespmem:$0xE50] =	vst v38  }
0xda: {  	v7 =	vld [tilespmem:$0x840];
	v27 =	vmul.u32 $0x280, v3;
	v41 =	vadd.s32 v45, v36;
	[tilespmem:$0xD60] =	vst v37  }
0xdb: {  	v4 =	vld [tilespmem:$0x7F0];
	v39 =	vmul.u32 $0x280, v48;
	v23 =	vadd.s32 v20, v62;
	[tilespmem:$0xE60] =	vst v41  }
0xdc: {  	v31 =	vld [tilespmem:$0x930];
	v48 =	vmul.u32 $0x280, v22;
	v32 =	vadd.s32 v5, v27;
	[tilespmem:$0xE00] =	vst v23  }
0xdd: {  	v30 =	vmul.u32 $0x280, v8;
	v49 =	vld [tilespmem:$0x9F0];
	v44 =	vadd.s32 v51, v39;
	[tilespmem:$0xE30] =	vst v32  }
0xde: {  	v63 =	vld [tilespmem:$0x910];
	v42 =	vmul.u32 $0x280, v54;
	v53 =	vadd.s32 v25, v48;
	[tilespmem:$0xE70] =	vst v44  }
0xdf: {  	v46 =	vld [tilespmem:$0x9E0];
	v51 =	vmul.u32 $0x280, v28;
	[tilespmem:$0xEA0] =	vst v53;
	v35 =	vadd.s32 v7, v30  }
0xe0: {  	v55 =	vld [tilespmem:$0x970];
	v59 =	vmul.u32 $0x280, v4;
	v47 =	vadd.s32 v57, v42;
	[tilespmem:$0xE40] =	vst v35  }
0xe1: {  	v37 =	vld [tilespmem:$0x940];
	v45 =	vmul.u32 $0x280, v60;
	v56 =	vadd.s32 v31, v51;
	[tilespmem:$0xE80] =	vst v47  }
0xe2: {  	v52 =	vld [tilespmem:$0x960];
	v57 =	vmul.u32 $0x280, v40;
	v19 =	vadd.s32 v6, v59;
	[tilespmem:$0xEB0] =	vst v56  }
0xe3: {  	v61 =	vmul.u32 $0x280, v49;
	[tilespmem:$0xDF0] =	vst v19;
	v50 =	vadd.s32 v63, v45  }
0xe4: {  	v54 =	vmul.u32 $0x280, v34;
	v60 =	vadd.s32 v43, v57;
	[tilespmem:$0xE90] =	vst v50  }
0xe5: {  	v59 =	vmul.u32 $0x280, v46;
	v63 =	vadd.s32 v55, v61;
	[tilespmem:$0xED0] =	vst v60  }
0xe6: {  	v58 =	vadd.s32 v37, v54;
	[tilespmem:$0xEF0] =	vst v63  }
0xe7: {  	v62 =	vadd.s32 v52, v59;
	[tilespmem:$0xEC0] =	vst v58  }
0xe8: {  	s9 =	simm.s32 $0x1;
	[tilespmem:$0xEE0] =	vst v62  }
0xe9: {  	_ =	swait.ge [sflag:s9], $0xC80  }
0xea: {  	[sflag:s9] =	ssyncset.done $0x0  }
0xeb: {  	[sflag:s9] =	ssyncadd.s32 $0xFFFFF380  }
0xec: {  	_ =	swait.ge [sflag:s9], $0xC80  }
0xed: {  	[sflag:s9] =	ssyncset.done $0x0  }
0xee: {  	[sflag:s9] =	ssyncadd.s32 $0xFFFFF380  }
0xef: {  	_ =	swait.ge [sflag:s9], $0xC80  }
0xf0: {  	[sflag:s9] =	ssyncset.done $0x0  }
0xf1: {  	[sflag:s9] =	ssyncadd.s32 $0xFFFFF380  }
0xf2: {  	_ =	swait.ge [sflag:s9], $0xC80  }
0xf3: {  	[sflag:s9] =	ssyncset.done $0x0  }
0xf4: {  	[sflag:s9] =	ssyncadd.s32 $0xFFFFF380  }
0xf5: {  	_ =	swait.ge [sflag:s9], $0xC80  }
0xf6: {  	[sflag:s9] =	ssyncset.done $0x0  }
0xf7: {  	[sflag:s9] =	ssyncadd.s32 $0xFFFFF380  }
0xf8: {  	_ =	swait.ge [sflag:s9], $0xC80  }
0xf9: {  	[sflag:s9] =	ssyncset.done $0x0  }
0xfa: {  	[sflag:s9] =	ssyncadd.s32 $0xFFFFF380  }
0xfb: {  	_ =	swait.ge [sflag:s9], $0xC80  }
0xfc: {  	[sflag:s9] =	ssyncset.done $0x0  }
0xfd: {  	[sflag:s9] =	ssyncadd.s32 $0xFFFFF380  }
0xfe: {  	_ =	swait.ge [sflag:s9], $0xA50  }
0xff: {  	[sflag:s9] =	ssyncset.done $0x0  }
0x100: {  	s10 =	simm.s32 $0x80;
	[sflag:s9] =	ssyncadd.s32 $0xFFFFF5B0  }
0x101: {  	s11 =	simm.s32 $0xA00;
	s12 =	simm.s32 $0x1200;
	[bflag:$0x0] =	sbarrier.arrive $0xFFFF  }
0x102: {  	[spmem:s3] =	stream.indirect.scatter.add.f32 [tilespmem:s12], [sflag:$0x1], $0x1, s11, s10, $0xb8;
	[tilespmem:$0xE2D0] =	vst v63  }
0x103: {  	s20 =	simm.s32 $0xA80  }
0x104: {  	[spmem:s3] =	stream.indirect.scatter.add.f32 [tilespmem:s12], [sflag:$0x1], $0x1, s20, s10, $0xb8;
	[tilespmem:$0xE2D0] =	vst v63  }
0x105: {  	s21 =	simm.s32 $0xB00  }
0x106: {  	[spmem:s3] =	stream.indirect.scatter.add.f32 [tilespmem:s12], [sflag:$0x1], $0x1, s21, s10, $0xb8;
	[tilespmem:$0xE2D0] =	vst v63  }
0x107: {  	s22 =	simm.s32 $0xB80  }
0x108: {  	[spmem:s3] =	stream.indirect.scatter.add.f32 [tilespmem:s12], [sflag:$0x1], $0x1, s22, s10, $0xb8;
	[tilespmem:$0xE2D0] =	vst v63  }
0x109: {  	s23 =	simm.s32 $0xC00  }
0x10a: {  	[spmem:s3] =	stream.indirect.scatter.add.f32 [tilespmem:s12], [sflag:$0x1], $0x1, s23, s10, $0xb8;
	[tilespmem:$0xE2D0] =	vst v63  }
0x10b: {  	s24 =	simm.s32 $0xC80  }
0x10c: {  	[spmem:s3] =	stream.indirect.scatter.add.f32 [tilespmem:s12], [sflag:$0x1], $0x1, s24, s10, $0xb8;
	[tilespmem:$0xE2D0] =	vst v63  }
0x10d: {  	s25 =	simm.s32 $0xD00  }
0x10e: {  	[spmem:s3] =	stream.indirect.scatter.add.f32 [tilespmem:s12], [sflag:$0x1], $0x1, s25, s10, $0xb8;
	[tilespmem:$0xE2D0] =	vst v63  }
0x10f: {  	s26 =	simm.s32 $0xD80  }
0x110: {  	[spmem:s3] =	stream.indirect.scatter.add.f32 [tilespmem:s12], [sflag:$0x1], $0x1, s26, s10, $0xb8;
	[tilespmem:$0xE2D0] =	vst v63  }
0x111: {  	s28 =	simm.s32 $0xE00  }
0x112: {  	[spmem:s3] =	stream.indirect.scatter.add.f32 [tilespmem:s12], [sflag:$0x1], $0x1, s28, s10, $0xb8;
	[tilespmem:$0xE2D0] =	vst v63  }
0x113: {  	s29 =	simm.s32 $0xE80  }
0x114: {  	[spmem:s3] =	stream.indirect.scatter.add.f32 [tilespmem:s12], [sflag:$0x1], $0x1, s29, s10, $0xb8;
	[tilespmem:$0xE2D0] =	vst v63  }
0x115: {  	_ =	swait.ge [sflag:s9], $0x80  }
0x116: {  	[sflag:s9] =	ssyncset.done $0x0  }
0x117: {  	[sflag:s9] =	ssyncadd.s32 $0xFFFFFF80  }
0x118: {  	_ =	swait.ge [sflag:s9], $0x80  }
0x119: {  	[sflag:s9] =	ssyncset.done $0x0  }
0x11a: {  	[sflag:s9] =	ssyncadd.s32 $0xFFFFFF80  }
0x11b: {  	_ =	swait.ge [sflag:s9], $0x80  }
0x11c: {  	[sflag:s9] =	ssyncset.done $0x0  }
0x11d: {  	[sflag:s9] =	ssyncadd.s32 $0xFFFFFF80  }
0x11e: {  	_ =	swait.ge [sflag:s9], $0x80  }
0x11f: {  	[sflag:s9] =	ssyncset.done $0x0  }
0x120: {  	[sflag:s9] =	ssyncadd.s32 $0xFFFFFF80  }
0x121: {  	_ =	swait.ge [sflag:s9], $0x80  }
0x122: {  	[sflag:s9] =	ssyncset.done $0x0  }
0x123: {  	[sflag:s9] =	ssyncadd.s32 $0xFFFFFF80  }
0x124: {  	_ =	swait.ge [sflag:s9], $0x80  }
0x125: {  	[sflag:s9] =	ssyncset.done $0x0  }
0x126: {  	[sflag:s9] =	ssyncadd.s32 $0xFFFFFF80  }
0x127: {  	_ =	swait.ge [sflag:s9], $0x80  }
0x128: {  	[sflag:s9] =	ssyncset.done $0x0  }
0x129: {  	[sflag:s9] =	ssyncadd.s32 $0xFFFFFF80  }
0x12a: {  	_ =	swait.ge [sflag:s9], $0x80  }
0x12b: {  	[sflag:s9] =	ssyncset.done $0x0  }
0x12c: {  	[sflag:s9] =	ssyncadd.s32 $0xFFFFFF80  }
0x12d: {  	_ =	swait.ge [sflag:s9], $0x80  }
0x12e: {  	[sflag:s9] =	ssyncset.done $0x0  }
0x12f: {  	[sflag:s9] =	ssyncadd.s32 $0xFFFFFF80  }
0x130: {  	_ =	swait.ge [sflag:s9], $0x80  }
0x131: {  	[sflag:s9] =	ssyncset.done $0x0  }
0x132: {  	[sflag:s9] =	ssyncadd.s32 $0xFFFFFF80  }
0x133: {  	s30 =	simm.s32 $0x1280;
	[bflag:$0x0] =	sbarrier.arrive $0xFFFF  }
0x134: {  	[tilespmem:s30], [sflag:$0x2] =	stream.linear.gather [spmem:s2], $0x30F0, $0x38;
	[tilespmem:$0xE2D0] =	vst v63  }
0x135: {  	_ =	swait.ge [sflag:s5], $0x30F0  }
0x136: {  	[sflag:s5] =	ssyncset.done $0x0  }
0x137: {  	[sflag:s5] =	ssyncadd.s32 $0xFFFFCF10  }
0x138: {  	[hbm4b:s7+s4] =	stream.linear.scatter [tilespmem:s30], [sflag:$0x1], $0x30F0, $0x38;
	[tilespmem:$0xE2D0] =	vst v63  }
0x139: {  	s31 =	simm.s32 $0x4370  }
0x13a: {  	[tilespmem:s31], [sflag:$0x2] =	stream.linear.gather [spmem:s8], $0x30E0, $0x38;
	[tilespmem:$0xE2D0] =	vst v63  }
0x13b: {  	_ =	swait.ge [sflag:s5], $0x30E0  }
0x13c: {  	[sflag:s5] =	ssyncset.done $0x0  }
0x13d: {  	[sflag:s5] =	ssyncadd.s32 $0xFFFFCF20  }
0x13e: {  	_ =	swait.ge [sflag:s9], $0x30F0  }
0x13f: {  	[sflag:s9] =	ssyncset.done $0x0  }
0x140: {  	[sflag:s9] =	ssyncadd.s32 $0xFFFFCF10  }
0x141: {  	[hbm4b:s6+s4] =	stream.linear.scatter [tilespmem:s31], [sflag:$0x2], $0x30E0, $0x38;
	[tilespmem:$0xE2D0] =	vst v63  }
0x142: {  	_ =	swait.ge [sflag:s5], $0x30E0  }
0x143: {  	[sflag:s5] =	ssyncset.done $0x0  }
0x144: {  	[sflag:s5] =	ssyncadd.s32 $0xFFFFCF20  }
0x145: {  	_ =	sfence.sel $0x180000  }
0x146: {  	[bflag:$0x0] =	sbarrier.arrive $0xFFFF  }
0x147: {  	p0 =	sne.s32 s1, $0x0;
	_ =	strace $0x90000047  }
0x148: {  	s0 =	sadd.s32 @!p0 $0x100000, s0;
	[bflag:$0x2] =	sbarrier.arrive $0xFFFF  }
0x149: {  	[sflag:s0] =	ssyncadd.tile.s32 @!p0 $0x1;
	_ =	shalt  }
.Lfunc_end2:
_tile_overlayer_lowered:
.L_overlay_start_2:
0x14a: {  	(tag) =	ssettag $0x2  }
0x14b: {  	s0 =	rddreg [dreg:$0x0];
	s2 =	stileid.u32  }
0x14c: {  	s1 =	rddreg [dreg:$0x1];
	p0 =	sne.s32 s2, $0x0  }
0x14d: {  	s3 =	rddreg [dreg:$0x2];
	[bflag:$0x3] =	sbarrier.arrive $0xFFFF;
	s2 =	simm.s32 @!p0 $0x1C02  }
0x14e: {  	[timem:s3], [sflag:s2] =	dma.local @!p0 [hbm:s0], s1  }
0x14f: {  	s0 =	simm.s32 @!p0 $0x2  }
0x150: {  	_ =	swait.ge @!p0 [sflag:s0], s1  }
0x151: {  	s1 =	ssub.s32 @!p0 $0x0, s1;
	[sflag:s0] =	ssyncset.done @!p0 $0x0  }
0x152: {  	[sflag:s0] =	ssyncadd.s32 @!p0 s1  }
0x153: {  	[bflag:$0x3] =	sbarrier.arrive $0xFFFF  }
0x154: {  	_ =	shalt  }

</sc_bundles>
